<compile_context>
chip_gen: v7x
topology: tpu7x:2x2x1
jax: 0.10.2.dev20260603
libtpu: 0.0.44.dev20260713+nightly
codegen_flags: <defaults>
</compile_context>

<pallas_src>
import jax
import jax.numpy as jnp
from jax import lax
from jax.experimental import pallas as pl
from jax.experimental.pallas import tpu as pltpu
from jax.experimental.pallas import tpu_sc as plsc

B = 1024
CTX = 20
EMB = 64
VOC = 100000

NC = 2
NS = 16
NW = NC * NS
TN = 4096
NJ = pl.cdiv(VOC, TN)


CPW = EMB // NW


def _sc_pool_t_body(emb_u, idx_u, out_hbm, idx_v, row_v, out_v, sem):
    wid = lax.axis_index("s") * NC + lax.axis_index("c")
    pltpu.sync_copy(idx_u, idx_v)
    inv = jnp.float32(1.0 / CTX)

    for comp in range(CPW):
        e = wid * CPW + comp
        pltpu.sync_copy(emb_u.at[e], row_v)

        def body(bb, carry):
            acc = jnp.zeros((16,), jnp.float32)
            for c in range(CTX):
                ivec = idx_v[c, pl.ds(bb * 16, 16)]
                acc = acc + plsc.load_gather(row_v, [ivec])
            out_v[pl.ds(bb * 16, 16)] = acc * inv
            return carry

        lax.fori_loop(0, B // 16, body, 0)
        pltpu.sync_copy(out_v, out_hbm.at[e])


def _sc_pool_t(emb_u, idx_u):
    kern = pl.kernel(
        _sc_pool_t_body,
        out_type=jax.ShapeDtypeStruct((EMB, B), jnp.float32),
        mesh=plsc.VectorSubcoreMesh(core_axis_name="c", subcore_axis_name="s"),
        scratch_types=[
            pltpu.VMEM((CTX, B), jnp.int32),
            pltpu.VMEM((VOC,), jnp.float32),
            pltpu.VMEM((B,), jnp.float32),
            pltpu.SemaphoreType.DMA,
        ],
        compiler_params=pltpu.CompilerParams(
            use_tc_tiling_on_sc=False,
            needs_layout_passes=False,
        ),
    )
    return kern(emb_u, idx_u)


def _mm_body(w_ref, p_ref, o_ref):
    o_ref[...] = lax.dot_general(
        w_ref[...],
        p_ref[...],
        dimension_numbers=(((0,), (0,)), ((), ())),
        preferred_element_type=jnp.float32,
    )


def _tc_matmul_t(ffw_t, pooled_t):
    return pl.pallas_call(
        _mm_body,
        grid=(NJ,),
        in_specs=[
            pl.BlockSpec((EMB, TN), lambda j: (0, j)),
            pl.BlockSpec((EMB, B), lambda j: (0, 0)),
        ],
        out_specs=pl.BlockSpec((TN, B), lambda j: (j, 0)),
        out_shape=jax.ShapeDtypeStruct((VOC, B), jnp.float32),
        compiler_params=pltpu.CompilerParams(
            dimension_semantics=("arbitrary",),
            vmem_limit_bytes=100 * 1024 * 1024,
        ),
    )(ffw_t, pooled_t)


def kernel(inpt, emb_table, ffw_weight):
    idx_u = inpt.astype(jnp.int32).T
    pooled_t = _sc_pool_t(emb_table.T, idx_u)
    out_t = _tc_matmul_t(ffw_weight.T, pooled_t)
    return out_t.T

# --- scband reference (transcript-rebuilt; emitter-appended) ---
"""Pipeline reference for scband-cbow-60086592471565 (READ-ONLY COPY).

The authoritative reference and input builder live on the scoring server;
editing this copy changes nothing except your own understanding.
"""

import jax, jax.numpy as jnp
import numpy as np

VOC = 100000
EMB = 64
BATCH = 1024
CTX = 20

def setup_inputs(seed: int = 0) -> dict:
    key = jax.random.key(seed)
    k1, k2, k3 = jax.random.split(key, 3)
    inpt = jax.random.randint(k1, (BATCH, CTX), 0, VOC, dtype=jnp.int64)
    # nn.Embedding weight: [voc, emb]
    emb_table = jax.random.normal(k2, (VOC, EMB), dtype=jnp.float32)
    # nn.Linear(emb, voc, bias=False) weight: [voc, emb]
    ffw_weight = jax.random.normal(k3, (VOC, EMB), dtype=jnp.float32) * 0.02
    return {"inpt": inpt, "emb_table": emb_table, "ffw_weight": ffw_weight}

def reference(inpt, emb_table, ffw_weight):
    # embedding lookup: gather rows of the table
    e = jnp.take(emb_table, inpt, axis=0)          # [B, CTX, EMB]
    e = jnp.mean(e, axis=1)                        # [B, EMB]
    out = e @ ffw_weight.T                         # [B, VOC]
    return out

if __name__ == "__main__":
    import jax
    _d = setup_inputs()
    print(jax.jit(kernel)(*tuple(_d.values())))

</pallas_src>

<mosaic_0001>
#map = affine_map<(d0, d1) -> (0, 0)>
module attributes {stable_mosaic.version = 14 : i64} {
  func.func @_sc_pool_t_body(%arg0: i32, %arg1: i32, %arg2: memref<64x100000xf32, #tpu.memory_space<hbm>>, %arg3: memref<20x1024xi32, #tpu.memory_space<hbm>>, %arg4: memref<64x1024xf32, #tpu.memory_space<hbm>>, %arg5: memref<20x1024xi32, #tpu.memory_space<vmem>>, %arg6: memref<100000xf32, #tpu.memory_space<vmem>>, %arg7: memref<1024xf32, #tpu.memory_space<vmem>>, %arg8: memref<!tpu.dma_semaphore, #tpu.memory_space<semaphore_mem>>) attributes {dimension_semantics = [#tpu.dimension_semantics<core_parallel>, #tpu.dimension_semantics<subcore_parallel>], iteration_bounds = array<i64: 2, 16>, scalar_prefetch = 0 : i64, scratch_operands = 4 : i64, tpu.core_type = #tpu.core_type<sc_vector_subcore>, window_params = [{transform_indices = #map}, {transform_indices = #map}, {transform_indices = #map}]} {
    %mul3A = arith.constant 2 : i32
    %mul3A_0 = arith.muli %arg1, %mul3A : i32
    %add3A = arith.addi %mul3A_0, %arg0 : i32
    "tpu.region"() ({
      %run_scoped3A = tpu.sem_alloc : memref<!tpu.dma_semaphore, #tpu.memory_space<semaphore_mem>>
      tpu.enqueue_dma source(%arg3 : memref<20x1024xi32, #tpu.memory_space<hbm>>) target(%arg5 : memref<20x1024xi32, #tpu.memory_space<vmem>>) target_semaphore(%run_scoped3A : memref<!tpu.dma_semaphore, #tpu.memory_space<semaphore_mem>>)
      tpu.wait_dma2 semaphore(%run_scoped3A : memref<!tpu.dma_semaphore, #tpu.memory_space<semaphore_mem>>) src(%arg3 : memref<20x1024xi32, #tpu.memory_space<hbm>>) dst(%arg5 : memref<20x1024xi32, #tpu.memory_space<vmem>>)
      tpu.yield
    }) : () -> ()
    %mul3A_1 = arith.constant 2 : i32
    %mul3A_2 = arith.muli %add3A, %mul3A_1 : i32
    %add3A_3 = arith.constant 0 : i32
    %add3A_4 = arith.addi %mul3A_2, %add3A_3 : i32
    "tpu.region"() ({
      %run_scoped3A = tpu.sem_alloc : memref<!tpu.dma_semaphore, #tpu.memory_space<semaphore_mem>>
      %dma_start3A = arith.constant 0 : i32
      %dma_start3A_22 = tpu.memref_slice %arg2[%add3A_4, %dma_start3A] : memref<64x100000xf32, #tpu.memory_space<hbm>> -> memref<1x100000xf32, #tpu.memory_space<hbm>>
      %dma_start3A_23 = tpu.memref_squeeze %dma_start3A_22 : memref<1x100000xf32, #tpu.memory_space<hbm>> -> memref<100000xf32, #tpu.memory_space<hbm>>
      %dma_start3A_24 = arith.constant 0 : i32
      %dma_start3A_25 = tpu.memref_slice %arg2[%add3A_4, %dma_start3A_24] : memref<64x100000xf32, #tpu.memory_space<hbm>> -> memref<1x100000xf32, #tpu.memory_space<hbm>>
      %dma_start3A_26 = tpu.memref_squeeze %dma_start3A_25 : memref<1x100000xf32, #tpu.memory_space<hbm>> -> memref<100000xf32, #tpu.memory_space<hbm>>
      tpu.enqueue_dma source(%dma_start3A_26 : memref<100000xf32, #tpu.memory_space<hbm>>) target(%arg6 : memref<100000xf32, #tpu.memory_space<vmem>>) target_semaphore(%run_scoped3A : memref<!tpu.dma_semaphore, #tpu.memory_space<semaphore_mem>>)
      %dma_wait3A = arith.constant 0 : i32
      %dma_wait3A_27 = tpu.memref_slice %arg2[%add3A_4, %dma_wait3A] : memref<64x100000xf32, #tpu.memory_space<hbm>> -> memref<1x100000xf32, #tpu.memory_space<hbm>>
      %dma_wait3A_28 = tpu.memref_squeeze %dma_wait3A_27 : memref<1x100000xf32, #tpu.memory_space<hbm>> -> memref<100000xf32, #tpu.memory_space<hbm>>
      %dma_wait3A_29 = arith.constant 0 : i32
      %dma_wait3A_30 = tpu.memref_slice %arg2[%add3A_4, %dma_wait3A_29] : memref<64x100000xf32, #tpu.memory_space<hbm>> -> memref<1x100000xf32, #tpu.memory_space<hbm>>
      %dma_wait3A_31 = tpu.memref_squeeze %dma_wait3A_30 : memref<1x100000xf32, #tpu.memory_space<hbm>> -> memref<100000xf32, #tpu.memory_space<hbm>>
      tpu.wait_dma2 semaphore(%run_scoped3A : memref<!tpu.dma_semaphore, #tpu.memory_space<semaphore_mem>>) src(%dma_wait3A_31 : memref<100000xf32, #tpu.memory_space<hbm>>) dst(%arg6 : memref<100000xf32, #tpu.memory_space<vmem>>)
      tpu.yield
    }) : () -> ()
    %scan3A = arith.constant 0 : i32
    %scan3A_5 = arith.constant 5.000000e-02 : f32
    %scan3A_6 = arith.constant 0 : i32
    %scan3A_7 = arith.constant 64 : i32
    %scan3A_8 = arith.addi %scan3A_6, %scan3A_7 : i32
    %scan3A_9 = arith.constant 1 : i32
    scf.for %scan3A_22 = %scan3A_6 to %scan3A_8 step %scan3A_9  : i32 {
      %broadcast_in_dim3A = arith.constant 0.000000e+00 : f32
      %broadcast_in_dim3A_23 = vector.broadcast %broadcast_in_dim3A : f32 to vector<16xf32>
      %mul3A_24 = arith.constant 16 : i32
      %mul3A_25 = arith.muli %scan3A_22, %mul3A_24 : i32
      %get3A = arith.constant 0 : i32
      %get3A_26 = arith.index_cast %get3A : i32 to index
      %get3A_27 = arith.index_cast %mul3A_25 : i32 to index
      %get3A_28 = tpu.vector_load %arg5[%get3A_26, %get3A_27] {strides = array<i32>} : memref<20x1024xi32, #tpu.memory_space<vmem>>, vector<16xi32>,
      %gather3A = tpu.vector_load_idx %arg6[%get3A_28] : memref<100000xf32, #tpu.memory_space<vmem>>[vector<16xi32>], vector<16xf32>,
      %add3A_29 = arith.addf %broadcast_in_dim3A_23, %gather3A : vector<16xf32>
      %mul3A_30 = arith.constant 16 : i32
      %mul3A_31 = arith.muli %scan3A_22, %mul3A_30 : i32
      %get3A_32 = arith.constant 1 : i32
      %get3A_33 = arith.index_cast %get3A_32 : i32 to index
      %get3A_34 = arith.index_cast %mul3A_31 : i32 to index
      %get3A_35 = tpu.vector_load %arg5[%get3A_33, %get3A_34] {strides = array<i32>} : memref<20x1024xi32, #tpu.memory_space<vmem>>, vector<16xi32>,
      %gather3A_36 = tpu.vector_load_idx %arg6[%get3A_35] : memref<100000xf32, #tpu.memory_space<vmem>>[vector<16xi32>], vector<16xf32>,
      %add3A_37 = arith.addf %add3A_29, %gather3A_36 : vector<16xf32>
      %mul3A_38 = arith.constant 16 : i32
      %mul3A_39 = arith.muli %scan3A_22, %mul3A_38 : i32
      %get3A_40 = arith.constant 2 : i32
      %get3A_41 = arith.index_cast %get3A_40 : i32 to index
      %get3A_42 = arith.index_cast %mul3A_39 : i32 to index
      %get3A_43 = tpu.vector_load %arg5[%get3A_41, %get3A_42] {strides = array<i32>} : memref<20x1024xi32, #tpu.memory_space<vmem>>, vector<16xi32>,
      %gather3A_44 = tpu.vector_load_idx %arg6[%get3A_43] : memref<100000xf32, #tpu.memory_space<vmem>>[vector<16xi32>], vector<16xf32>,
      %add3A_45 = arith.addf %add3A_37, %gather3A_44 : vector<16xf32>
      %mul3A_46 = arith.constant 16 : i32
      %mul3A_47 = arith.muli %scan3A_22, %mul3A_46 : i32
      %get3A_48 = arith.constant 3 : i32
      %get3A_49 = arith.index_cast %get3A_48 : i32 to index
      %get3A_50 = arith.index_cast %mul3A_47 : i32 to index
      %get3A_51 = tpu.vector_load %arg5[%get3A_49, %get3A_50] {strides = array<i32>} : memref<20x1024xi32, #tpu.memory_space<vmem>>, vector<16xi32>,
      %gather3A_52 = tpu.vector_load_idx %arg6[%get3A_51] : memref<100000xf32, #tpu.memory_space<vmem>>[vector<16xi32>], vector<16xf32>,
      %add3A_53 = arith.addf %add3A_45, %gather3A_52 : vector<16xf32>
      %mul3A_54 = arith.constant 16 : i32
      %mul3A_55 = arith.muli %scan3A_22, %mul3A_54 : i32
      %get3A_56 = arith.constant 4 : i32
      %get3A_57 = arith.index_cast %get3A_56 : i32 to index
      %get3A_58 = arith.index_cast %mul3A_55 : i32 to index
      %get3A_59 = tpu.vector_load %arg5[%get3A_57, %get3A_58] {strides = array<i32>} : memref<20x1024xi32, #tpu.memory_space<vmem>>, vector<16xi32>,
      %gather3A_60 = tpu.vector_load_idx %arg6[%get3A_59] : memref<100000xf32, #tpu.memory_space<vmem>>[vector<16xi32>], vector<16xf32>,
      %add3A_61 = arith.addf %add3A_53, %gather3A_60 : vector<16xf32>
      %mul3A_62 = arith.constant 16 : i32
      %mul3A_63 = arith.muli %scan3A_22, %mul3A_62 : i32
      %get3A_64 = arith.constant 5 : i32
      %get3A_65 = arith.index_cast %get3A_64 : i32 to index
      %get3A_66 = arith.index_cast %mul3A_63 : i32 to index
      %get3A_67 = tpu.vector_load %arg5[%get3A_65, %get3A_66] {strides = array<i32>} : memref<20x1024xi32, #tpu.memory_space<vmem>>, vector<16xi32>,
      %gather3A_68 = tpu.vector_load_idx %arg6[%get3A_67] : memref<100000xf32, #tpu.memory_space<vmem>>[vector<16xi32>], vector<16xf32>,
      %add3A_69 = arith.addf %add3A_61, %gather3A_68 : vector<16xf32>
      %mul3A_70 = arith.constant 16 : i32
      %mul3A_71 = arith.muli %scan3A_22, %mul3A_70 : i32
      %get3A_72 = arith.constant 6 : i32
      %get3A_73 = arith.index_cast %get3A_72 : i32 to index
      %get3A_74 = arith.index_cast %mul3A_71 : i32 to index
      %get3A_75 = tpu.vector_load %arg5[%get3A_73, %get3A_74] {strides = array<i32>} : memref<20x1024xi32, #tpu.memory_space<vmem>>, vector<16xi32>,
      %gather3A_76 = tpu.vector_load_idx %arg6[%get3A_75] : memref<100000xf32, #tpu.memory_space<vmem>>[vector<16xi32>], vector<16xf32>,
      %add3A_77 = arith.addf %add3A_69, %gather3A_76 : vector<16xf32>
      %mul3A_78 = arith.constant 16 : i32
      %mul3A_79 = arith.muli %scan3A_22, %mul3A_78 : i32
      %get3A_80 = arith.constant 7 : i32
      %get3A_81 = arith.index_cast %get3A_80 : i32 to index
      %get3A_82 = arith.index_cast %mul3A_79 : i32 to index
      %get3A_83 = tpu.vector_load %arg5[%get3A_81, %get3A_82] {strides = array<i32>} : memref<20x1024xi32, #tpu.memory_space<vmem>>, vector<16xi32>,
      %gather3A_84 = tpu.vector_load_idx %arg6[%get3A_83] : memref<100000xf32, #tpu.memory_space<vmem>>[vector<16xi32>], vector<16xf32>,
      %add3A_85 = arith.addf %add3A_77, %gather3A_84 : vector<16xf32>
      %mul3A_86 = arith.constant 16 : i32
      %mul3A_87 = arith.muli %scan3A_22, %mul3A_86 : i32
      %get3A_88 = arith.constant 8 : i32
      %get3A_89 = arith.index_cast %get3A_88 : i32 to index
      %get3A_90 = arith.index_cast %mul3A_87 : i32 to index
      %get3A_91 = tpu.vector_load %arg5[%get3A_89, %get3A_90] {strides = array<i32>} : memref<20x1024xi32, #tpu.memory_space<vmem>>, vector<16xi32>,
      %gather3A_92 = tpu.vector_load_idx %arg6[%get3A_91] : memref<100000xf32, #tpu.memory_space<vmem>>[vector<16xi32>], vector<16xf32>,
      %add3A_93 = arith.addf %add3A_85, %gather3A_92 : vector<16xf32>
      %mul3A_94 = arith.constant 16 : i32
      %mul3A_95 = arith.muli %scan3A_22, %mul3A_94 : i32
      %get3A_96 = arith.constant 9 : i32
      %get3A_97 = arith.index_cast %get3A_96 : i32 to index
      %get3A_98 = arith.index_cast %mul3A_95 : i32 to index
      %get3A_99 = tpu.vector_load %arg5[%get3A_97, %get3A_98] {strides = array<i32>} : memref<20x1024xi32, #tpu.memory_space<vmem>>, vector<16xi32>,
      %gather3A_100 = tpu.vector_load_idx %arg6[%get3A_99] : memref<100000xf32, #tpu.memory_space<vmem>>[vector<16xi32>], vector<16xf32>,
      %add3A_101 = arith.addf %add3A_93, %gather3A_100 : vector<16xf32>
      %mul3A_102 = arith.constant 16 : i32
      %mul3A_103 = arith.muli %scan3A_22, %mul3A_102 : i32
      %get3A_104 = arith.constant 10 : i32
      %get3A_105 = arith.index_cast %get3A_104 : i32 to index
      %get3A_106 = arith.index_cast %mul3A_103 : i32 to index
      %get3A_107 = tpu.vector_load %arg5[%get3A_105, %get3A_106] {strides = array<i32>} : memref<20x1024xi32, #tpu.memory_space<vmem>>, vector<16xi32>,
      %gather3A_108 = tpu.vector_load_idx %arg6[%get3A_107] : memref<100000xf32, #tpu.memory_space<vmem>>[vector<16xi32>], vector<16xf32>,
      %add3A_109 = arith.addf %add3A_101, %gather3A_108 : vector<16xf32>
      %mul3A_110 = arith.constant 16 : i32
      %mul3A_111 = arith.muli %scan3A_22, %mul3A_110 : i32
      %get3A_112 = arith.constant 11 : i32
      %get3A_113 = arith.index_cast %get3A_112 : i32 to index
      %get3A_114 = arith.index_cast %mul3A_111 : i32 to index
      %get3A_115 = tpu.vector_load %arg5[%get3A_113, %get3A_114] {strides = array<i32>} : memref<20x1024xi32, #tpu.memory_space<vmem>>, vector<16xi32>,
      %gather3A_116 = tpu.vector_load_idx %arg6[%get3A_115] : memref<100000xf32, #tpu.memory_space<vmem>>[vector<16xi32>], vector<16xf32>,
      %add3A_117 = arith.addf %add3A_109, %gather3A_116 : vector<16xf32>
      %mul3A_118 = arith.constant 16 : i32
      %mul3A_119 = arith.muli %scan3A_22, %mul3A_118 : i32
      %get3A_120 = arith.constant 12 : i32
      %get3A_121 = arith.index_cast %get3A_120 : i32 to index
      %get3A_122 = arith.index_cast %mul3A_119 : i32 to index
      %get3A_123 = tpu.vector_load %arg5[%get3A_121, %get3A_122] {strides = array<i32>} : memref<20x1024xi32, #tpu.memory_space<vmem>>, vector<16xi32>,
      %gather3A_124 = tpu.vector_load_idx %arg6[%get3A_123] : memref<100000xf32, #tpu.memory_space<vmem>>[vector<16xi32>], vector<16xf32>,
      %add3A_125 = arith.addf %add3A_117, %gather3A_124 : vector<16xf32>
      %mul3A_126 = arith.constant 16 : i32
      %mul3A_127 = arith.muli %scan3A_22, %mul3A_126 : i32
      %get3A_128 = arith.constant 13 : i32
      %get3A_129 = arith.index_cast %get3A_128 : i32 to index
      %get3A_130 = arith.index_cast %mul3A_127 : i32 to index
      %get3A_131 = tpu.vector_load %arg5[%get3A_129, %get3A_130] {strides = array<i32>} : memref<20x1024xi32, #tpu.memory_space<vmem>>, vector<16xi32>,
      %gather3A_132 = tpu.vector_load_idx %arg6[%get3A_131] : memref<100000xf32, #tpu.memory_space<vmem>>[vector<16xi32>], vector<16xf32>,
      %add3A_133 = arith.addf %add3A_125, %gather3A_132 : vector<16xf32>
      %mul3A_134 = arith.constant 16 : i32
      %mul3A_135 = arith.muli %scan3A_22, %mul3A_134 : i32
      %get3A_136 = arith.constant 14 : i32
      %get3A_137 = arith.index_cast %get3A_136 : i32 to index
      %get3A_138 = arith.index_cast %mul3A_135 : i32 to index
      %get3A_139 = tpu.vector_load %arg5[%get3A_137, %get3A_138] {strides = array<i32>} : memref<20x1024xi32, #tpu.memory_space<vmem>>, vector<16xi32>,
      %gather3A_140 = tpu.vector_load_idx %arg6[%get3A_139] : memref<100000xf32, #tpu.memory_space<vmem>>[vector<16xi32>], vector<16xf32>,
      %add3A_141 = arith.addf %add3A_133, %gather3A_140 : vector<16xf32>
      %mul3A_142 = arith.constant 16 : i32
      %mul3A_143 = arith.muli %scan3A_22, %mul3A_142 : i32
      %get3A_144 = arith.constant 15 : i32
      %get3A_145 = arith.index_cast %get3A_144 : i32 to index
      %get3A_146 = arith.index_cast %mul3A_143 : i32 to index
      %get3A_147 = tpu.vector_load %arg5[%get3A_145, %get3A_146] {strides = array<i32>} : memref<20x1024xi32, #tpu.memory_space<vmem>>, vector<16xi32>,
      %gather3A_148 = tpu.vector_load_idx %arg6[%get3A_147] : memref<100000xf32, #tpu.memory_space<vmem>>[vector<16xi32>], vector<16xf32>,
      %add3A_149 = arith.addf %add3A_141, %gather3A_148 : vector<16xf32>
      %mul3A_150 = arith.constant 16 : i32
      %mul3A_151 = arith.muli %scan3A_22, %mul3A_150 : i32
      %get3A_152 = arith.constant 16 : i32
      %get3A_153 = arith.index_cast %get3A_152 : i32 to index
      %get3A_154 = arith.index_cast %mul3A_151 : i32 to index
      %get3A_155 = tpu.vector_load %arg5[%get3A_153, %get3A_154] {strides = array<i32>} : memref<20x1024xi32, #tpu.memory_space<vmem>>, vector<16xi32>,
      %gather3A_156 = tpu.vector_load_idx %arg6[%get3A_155] : memref<100000xf32, #tpu.memory_space<vmem>>[vector<16xi32>], vector<16xf32>,
      %add3A_157 = arith.addf %add3A_149, %gather3A_156 : vector<16xf32>
      %mul3A_158 = arith.constant 16 : i32
      %mul3A_159 = arith.muli %scan3A_22, %mul3A_158 : i32
      %get3A_160 = arith.constant 17 : i32
      %get3A_161 = arith.index_cast %get3A_160 : i32 to index
      %get3A_162 = arith.index_cast %mul3A_159 : i32 to index
      %get3A_163 = tpu.vector_load %arg5[%get3A_161, %get3A_162] {strides = array<i32>} : memref<20x1024xi32, #tpu.memory_space<vmem>>, vector<16xi32>,
      %gather3A_164 = tpu.vector_load_idx %arg6[%get3A_163] : memref<100000xf32, #tpu.memory_space<vmem>>[vector<16xi32>], vector<16xf32>,
      %add3A_165 = arith.addf %add3A_157, %gather3A_164 : vector<16xf32>
      %mul3A_166 = arith.constant 16 : i32
      %mul3A_167 = arith.muli %scan3A_22, %mul3A_166 : i32
      %get3A_168 = arith.constant 18 : i32
      %get3A_169 = arith.index_cast %get3A_168 : i32 to index
      %get3A_170 = arith.index_cast %mul3A_167 : i32 to index
      %get3A_171 = tpu.vector_load %arg5[%get3A_169, %get3A_170] {strides = array<i32>} : memref<20x1024xi32, #tpu.memory_space<vmem>>, vector<16xi32>,
      %gather3A_172 = tpu.vector_load_idx %arg6[%get3A_171] : memref<100000xf32, #tpu.memory_space<vmem>>[vector<16xi32>], vector<16xf32>,
      %add3A_173 = arith.addf %add3A_165, %gather3A_172 : vector<16xf32>
      %mul3A_174 = arith.constant 16 : i32
      %mul3A_175 = arith.muli %scan3A_22, %mul3A_174 : i32
      %get3A_176 = arith.constant 19 : i32
      %get3A_177 = arith.index_cast %get3A_176 : i32 to index
      %get3A_178 = arith.index_cast %mul3A_175 : i32 to index
      %get3A_179 = tpu.vector_load %arg5[%get3A_177, %get3A_178] {strides = array<i32>} : memref<20x1024xi32, #tpu.memory_space<vmem>>, vector<16xi32>,
      %gather3A_180 = tpu.vector_load_idx %arg6[%get3A_179] : memref<100000xf32, #tpu.memory_space<vmem>>[vector<16xi32>], vector<16xf32>,
      %add3A_181 = arith.addf %add3A_173, %gather3A_180 : vector<16xf32>
      %mul3A_182 = vector.broadcast %scan3A_5 : f32 to vector<16xf32>
      %mul3A_183 = arith.mulf %add3A_181, %mul3A_182 : vector<16xf32>
      %mul3A_184 = arith.constant 16 : i32
      %mul3A_185 = arith.muli %scan3A_22, %mul3A_184 : i32
      %swap3A = arith.index_cast %mul3A_185 : i32 to index
      %swap3A_186 = tpu.vector_load %arg7[%swap3A] {strides = array<i32>} : memref<1024xf32, #tpu.memory_space<vmem>>, vector<16xf32>,
      tpu.vector_store %arg7[%swap3A], %mul3A_183 {strides = array<i32>} : memref<1024xf32, #tpu.memory_space<vmem>>, vector<16xf32>,
    }
    %scan3A_10 = arith.constant 64 : i32
    "tpu.region"() ({
      %run_scoped3A = tpu.sem_alloc : memref<!tpu.dma_semaphore, #tpu.memory_space<semaphore_mem>>
      %dma_start3A = arith.constant 0 : i32
      %dma_start3A_22 = tpu.memref_slice %arg4[%add3A_4, %dma_start3A] : memref<64x1024xf32, #tpu.memory_space<hbm>> -> memref<1x1024xf32, #tpu.memory_space<hbm>>
      %dma_start3A_23 = tpu.memref_squeeze %dma_start3A_22 : memref<1x1024xf32, #tpu.memory_space<hbm>> -> memref<1024xf32, #tpu.memory_space<hbm>>
      %dma_start3A_24 = arith.constant 0 : i32
      %dma_start3A_25 = tpu.memref_slice %arg4[%add3A_4, %dma_start3A_24] : memref<64x1024xf32, #tpu.memory_space<hbm>> -> memref<1x1024xf32, #tpu.memory_space<hbm>>
      %dma_start3A_26 = tpu.memref_squeeze %dma_start3A_25 : memref<1x1024xf32, #tpu.memory_space<hbm>> -> memref<1024xf32, #tpu.memory_space<hbm>>
      tpu.enqueue_dma source(%arg7 : memref<1024xf32, #tpu.memory_space<vmem>>) target(%dma_start3A_26 : memref<1024xf32, #tpu.memory_space<hbm>>) target_semaphore(%run_scoped3A : memref<!tpu.dma_semaphore, #tpu.memory_space<semaphore_mem>>)
      %dma_wait3A = arith.constant 0 : i32
      %dma_wait3A_27 = tpu.memref_slice %arg4[%add3A_4, %dma_wait3A] : memref<64x1024xf32, #tpu.memory_space<hbm>> -> memref<1x1024xf32, #tpu.memory_space<hbm>>
      %dma_wait3A_28 = tpu.memref_squeeze %dma_wait3A_27 : memref<1x1024xf32, #tpu.memory_space<hbm>> -> memref<1024xf32, #tpu.memory_space<hbm>>
      %dma_wait3A_29 = arith.constant 0 : i32
      %dma_wait3A_30 = tpu.memref_slice %arg4[%add3A_4, %dma_wait3A_29] : memref<64x1024xf32, #tpu.memory_space<hbm>> -> memref<1x1024xf32, #tpu.memory_space<hbm>>
      %dma_wait3A_31 = tpu.memref_squeeze %dma_wait3A_30 : memref<1x1024xf32, #tpu.memory_space<hbm>> -> memref<1024xf32, #tpu.memory_space<hbm>>
      tpu.wait_dma2 semaphore(%run_scoped3A : memref<!tpu.dma_semaphore, #tpu.memory_space<semaphore_mem>>) src(%arg7 : memref<1024xf32, #tpu.memory_space<vmem>>) dst(%dma_wait3A_31 : memref<1024xf32, #tpu.memory_space<hbm>>)
      tpu.yield
    }) : () -> ()
    %mul3A_11 = arith.constant 2 : i32
    %mul3A_12 = arith.muli %add3A, %mul3A_11 : i32
    %add3A_13 = arith.constant 1 : i32
    %add3A_14 = arith.addi %mul3A_12, %add3A_13 : i32
    "tpu.region"() ({
      %run_scoped3A = tpu.sem_alloc : memref<!tpu.dma_semaphore, #tpu.memory_space<semaphore_mem>>
      %dma_start3A = arith.constant 0 : i32
      %dma_start3A_22 = tpu.memref_slice %arg2[%add3A_14, %dma_start3A] : memref<64x100000xf32, #tpu.memory_space<hbm>> -> memref<1x100000xf32, #tpu.memory_space<hbm>>
      %dma_start3A_23 = tpu.memref_squeeze %dma_start3A_22 : memref<1x100000xf32, #tpu.memory_space<hbm>> -> memref<100000xf32, #tpu.memory_space<hbm>>
      %dma_start3A_24 = arith.constant 0 : i32
      %dma_start3A_25 = tpu.memref_slice %arg2[%add3A_14, %dma_start3A_24] : memref<64x100000xf32, #tpu.memory_space<hbm>> -> memref<1x100000xf32, #tpu.memory_space<hbm>>
      %dma_start3A_26 = tpu.memref_squeeze %dma_start3A_25 : memref<1x100000xf32, #tpu.memory_space<hbm>> -> memref<100000xf32, #tpu.memory_space<hbm>>
      tpu.enqueue_dma source(%dma_start3A_26 : memref<100000xf32, #tpu.memory_space<hbm>>) target(%arg6 : memref<100000xf32, #tpu.memory_space<vmem>>) target_semaphore(%run_scoped3A : memref<!tpu.dma_semaphore, #tpu.memory_space<semaphore_mem>>)
      %dma_wait3A = arith.constant 0 : i32
      %dma_wait3A_27 = tpu.memref_slice %arg2[%add3A_14, %dma_wait3A] : memref<64x100000xf32, #tpu.memory_space<hbm>> -> memref<1x100000xf32, #tpu.memory_space<hbm>>
      %dma_wait3A_28 = tpu.memref_squeeze %dma_wait3A_27 : memref<1x100000xf32, #tpu.memory_space<hbm>> -> memref<100000xf32, #tpu.memory_space<hbm>>
      %dma_wait3A_29 = arith.constant 0 : i32
      %dma_wait3A_30 = tpu.memref_slice %arg2[%add3A_14, %dma_wait3A_29] : memref<64x100000xf32, #tpu.memory_space<hbm>> -> memref<1x100000xf32, #tpu.memory_space<hbm>>
      %dma_wait3A_31 = tpu.memref_squeeze %dma_wait3A_30 : memref<1x100000xf32, #tpu.memory_space<hbm>> -> memref<100000xf32, #tpu.memory_space<hbm>>
      tpu.wait_dma2 semaphore(%run_scoped3A : memref<!tpu.dma_semaphore, #tpu.memory_space<semaphore_mem>>) src(%dma_wait3A_31 : memref<100000xf32, #tpu.memory_space<hbm>>) dst(%arg6 : memref<100000xf32, #tpu.memory_space<vmem>>)
      tpu.yield
    }) : () -> ()
    %scan3A_15 = arith.constant 0 : i32
    %scan3A_16 = arith.constant 5.000000e-02 : f32
    %scan3A_17 = arith.constant 0 : i32
    %scan3A_18 = arith.constant 64 : i32
    %scan3A_19 = arith.addi %scan3A_17, %scan3A_18 : i32
    %scan3A_20 = arith.constant 1 : i32
    scf.for %scan3A_22 = %scan3A_17 to %scan3A_19 step %scan3A_20  : i32 {
      %broadcast_in_dim3A = arith.constant 0.000000e+00 : f32
      %broadcast_in_dim3A_23 = vector.broadcast %broadcast_in_dim3A : f32 to vector<16xf32>
      %mul3A_24 = arith.constant 16 : i32
      %mul3A_25 = arith.muli %scan3A_22, %mul3A_24 : i32
      %get3A = arith.constant 0 : i32
      %get3A_26 = arith.index_cast %get3A : i32 to index
      %get3A_27 = arith.index_cast %mul3A_25 : i32 to index
      %get3A_28 = tpu.vector_load %arg5[%get3A_26, %get3A_27] {strides = array<i32>} : memref<20x1024xi32, #tpu.memory_space<vmem>>, vector<16xi32>,
      %gather3A = tpu.vector_load_idx %arg6[%get3A_28] : memref<100000xf32, #tpu.memory_space<vmem>>[vector<16xi32>], vector<16xf32>,
      %add3A_29 = arith.addf %broadcast_in_dim3A_23, %gather3A : vector<16xf32>
      %mul3A_30 = arith.constant 16 : i32
      %mul3A_31 = arith.muli %scan3A_22, %mul3A_30 : i32
      %get3A_32 = arith.constant 1 : i32
      %get3A_33 = arith.index_cast %get3A_32 : i32 to index
      %get3A_34 = arith.index_cast %mul3A_31 : i32 to index
      %get3A_35 = tpu.vector_load %arg5[%get3A_33, %get3A_34] {strides = array<i32>} : memref<20x1024xi32, #tpu.memory_space<vmem>>, vector<16xi32>,
      %gather3A_36 = tpu.vector_load_idx %arg6[%get3A_35] : memref<100000xf32, #tpu.memory_space<vmem>>[vector<16xi32>], vector<16xf32>,
      %add3A_37 = arith.addf %add3A_29, %gather3A_36 : vector<16xf32>
      %mul3A_38 = arith.constant 16 : i32
      %mul3A_39 = arith.muli %scan3A_22, %mul3A_38 : i32
      %get3A_40 = arith.constant 2 : i32
      %get3A_41 = arith.index_cast %get3A_40 : i32 to index
      %get3A_42 = arith.index_cast %mul3A_39 : i32 to index
      %get3A_43 = tpu.vector_load %arg5[%get3A_41, %get3A_42] {strides = array<i32>} : memref<20x1024xi32, #tpu.memory_space<vmem>>, vector<16xi32>,
      %gather3A_44 = tpu.vector_load_idx %arg6[%get3A_43] : memref<100000xf32, #tpu.memory_space<vmem>>[vector<16xi32>], vector<16xf32>,
      %add3A_45 = arith.addf %add3A_37, %gather3A_44 : vector<16xf32>
      %mul3A_46 = arith.constant 16 : i32
      %mul3A_47 = arith.muli %scan3A_22, %mul3A_46 : i32
      %get3A_48 = arith.constant 3 : i32
      %get3A_49 = arith.index_cast %get3A_48 : i32 to index
      %get3A_50 = arith.index_cast %mul3A_47 : i32 to index
      %get3A_51 = tpu.vector_load %arg5[%get3A_49, %get3A_50] {strides = array<i32>} : memref<20x1024xi32, #tpu.memory_space<vmem>>, vector<16xi32>,
      %gather3A_52 = tpu.vector_load_idx %arg6[%get3A_51] : memref<100000xf32, #tpu.memory_space<vmem>>[vector<16xi32>], vector<16xf32>,
      %add3A_53 = arith.addf %add3A_45, %gather3A_52 : vector<16xf32>
      %mul3A_54 = arith.constant 16 : i32
      %mul3A_55 = arith.muli %scan3A_22, %mul3A_54 : i32
      %get3A_56 = arith.constant 4 : i32
      %get3A_57 = arith.index_cast %get3A_56 : i32 to index
      %get3A_58 = arith.index_cast %mul3A_55 : i32 to index
      %get3A_59 = tpu.vector_load %arg5[%get3A_57, %get3A_58] {strides = array<i32>} : memref<20x1024xi32, #tpu.memory_space<vmem>>, vector<16xi32>,
      %gather3A_60 = tpu.vector_load_idx %arg6[%get3A_59] : memref<100000xf32, #tpu.memory_space<vmem>>[vector<16xi32>], vector<16xf32>,
      %add3A_61 = arith.addf %add3A_53, %gather3A_60 : vector<16xf32>
      %mul3A_62 = arith.constant 16 : i32
      %mul3A_63 = arith.muli %scan3A_22, %mul3A_62 : i32
      %get3A_64 = arith.constant 5 : i32
      %get3A_65 = arith.index_cast %get3A_64 : i32 to index
      %get3A_66 = arith.index_cast %mul3A_63 : i32 to index
      %get3A_67 = tpu.vector_load %arg5[%get3A_65, %get3A_66] {strides = array<i32>} : memref<20x1024xi32, #tpu.memory_space<vmem>>, vector<16xi32>,
      %gather3A_68 = tpu.vector_load_idx %arg6[%get3A_67] : memref<100000xf32, #tpu.memory_space<vmem>>[vector<16xi32>], vector<16xf32>,
      %add3A_69 = arith.addf %add3A_61, %gather3A_68 : vector<16xf32>
      %mul3A_70 = arith.constant 16 : i32
      %mul3A_71 = arith.muli %scan3A_22, %mul3A_70 : i32
      %get3A_72 = arith.constant 6 : i32
      %get3A_73 = arith.index_cast %get3A_72 : i32 to index
      %get3A_74 = arith.index_cast %mul3A_71 : i32 to index
      %get3A_75 = tpu.vector_load %arg5[%get3A_73, %get3A_74] {strides = array<i32>} : memref<20x1024xi32, #tpu.memory_space<vmem>>, vector<16xi32>,
      %gather3A_76 = tpu.vector_load_idx %arg6[%get3A_75] : memref<100000xf32, #tpu.memory_space<vmem>>[vector<16xi32>], vector<16xf32>,
      %add3A_77 = arith.addf %add3A_69, %gather3A_76 : vector<16xf32>
      %mul3A_78 = arith.constant 16 : i32
      %mul3A_79 = arith.muli %scan3A_22, %mul3A_78 : i32
      %get3A_80 = arith.constant 7 : i32
      %get3A_81 = arith.index_cast %get3A_80 : i32 to index
      %get3A_82 = arith.index_cast %mul3A_79 : i32 to index
      %get3A_83 = tpu.vector_load %arg5[%get3A_81, %get3A_82] {strides = array<i32>} : memref<20x1024xi32, #tpu.memory_space<vmem>>, vector<16xi32>,
      %gather3A_84 = tpu.vector_load_idx %arg6[%get3A_83] : memref<100000xf32, #tpu.memory_space<vmem>>[vector<16xi32>], vector<16xf32>,
      %add3A_85 = arith.addf %add3A_77, %gather3A_84 : vector<16xf32>
      %mul3A_86 = arith.constant 16 : i32
      %mul3A_87 = arith.muli %scan3A_22, %mul3A_86 : i32
      %get3A_88 = arith.constant 8 : i32
      %get3A_89 = arith.index_cast %get3A_88 : i32 to index
      %get3A_90 = arith.index_cast %mul3A_87 : i32 to index
      %get3A_91 = tpu.vector_load %arg5[%get3A_89, %get3A_90] {strides = array<i32>} : memref<20x1024xi32, #tpu.memory_space<vmem>>, vector<16xi32>,
      %gather3A_92 = tpu.vector_load_idx %arg6[%get3A_91] : memref<100000xf32, #tpu.memory_space<vmem>>[vector<16xi32>], vector<16xf32>,
      %add3A_93 = arith.addf %add3A_85, %gather3A_92 : vector<16xf32>
      %mul3A_94 = arith.constant 16 : i32
      %mul3A_95 = arith.muli %scan3A_22, %mul3A_94 : i32
      %get3A_96 = arith.constant 9 : i32
      %get3A_97 = arith.index_cast %get3A_96 : i32 to index
      %get3A_98 = arith.index_cast %mul3A_95 : i32 to index
      %get3A_99 = tpu.vector_load %arg5[%get3A_97, %get3A_98] {strides = array<i32>} : memref<20x1024xi32, #tpu.memory_space<vmem>>, vector<16xi32>,
      %gather3A_100 = tpu.vector_load_idx %arg6[%get3A_99] : memref<100000xf32, #tpu.memory_space<vmem>>[vector<16xi32>], vector<16xf32>,
      %add3A_101 = arith.addf %add3A_93, %gather3A_100 : vector<16xf32>
      %mul3A_102 = arith.constant 16 : i32
      %mul3A_103 = arith.muli %scan3A_22, %mul3A_102 : i32
      %get3A_104 = arith.constant 10 : i32
      %get3A_105 = arith.index_cast %get3A_104 : i32 to index
      %get3A_106 = arith.index_cast %mul3A_103 : i32 to index
      %get3A_107 = tpu.vector_load %arg5[%get3A_105, %get3A_106] {strides = array<i32>} : memref<20x1024xi32, #tpu.memory_space<vmem>>, vector<16xi32>,
      %gather3A_108 = tpu.vector_load_idx %arg6[%get3A_107] : memref<100000xf32, #tpu.memory_space<vmem>>[vector<16xi32>], vector<16xf32>,
      %add3A_109 = arith.addf %add3A_101, %gather3A_108 : vector<16xf32>
      %mul3A_110 = arith.constant 16 : i32
      %mul3A_111 = arith.muli %scan3A_22, %mul3A_110 : i32
      %get3A_112 = arith.constant 11 : i32
      %get3A_113 = arith.index_cast %get3A_112 : i32 to index
      %get3A_114 = arith.index_cast %mul3A_111 : i32 to index
      %get3A_115 = tpu.vector_load %arg5[%get3A_113, %get3A_114] {strides = array<i32>} : memref<20x1024xi32, #tpu.memory_space<vmem>>, vector<16xi32>,
      %gather3A_116 = tpu.vector_load_idx %arg6[%get3A_115] : memref<100000xf32, #tpu.memory_space<vmem>>[vector<16xi32>], vector<16xf32>,
      %add3A_117 = arith.addf %add3A_109, %gather3A_116 : vector<16xf32>
      %mul3A_118 = arith.constant 16 : i32
      %mul3A_119 = arith.muli %scan3A_22, %mul3A_118 : i32
      %get3A_120 = arith.constant 12 : i32
      %get3A_121 = arith.index_cast %get3A_120 : i32 to index
      %get3A_122 = arith.index_cast %mul3A_119 : i32 to index
      %get3A_123 = tpu.vector_load %arg5[%get3A_121, %get3A_122] {strides = array<i32>} : memref<20x1024xi32, #tpu.memory_space<vmem>>, vector<16xi32>,
      %gather3A_124 = tpu.vector_load_idx %arg6[%get3A_123] : memref<100000xf32, #tpu.memory_space<vmem>>[vector<16xi32>], vector<16xf32>,
      %add3A_125 = arith.addf %add3A_117, %gather3A_124 : vector<16xf32>
      %mul3A_126 = arith.constant 16 : i32
      %mul3A_127 = arith.muli %scan3A_22, %mul3A_126 : i32
      %get3A_128 = arith.constant 13 : i32
      %get3A_129 = arith.index_cast %get3A_128 : i32 to index
      %get3A_130 = arith.index_cast %mul3A_127 : i32 to index
      %get3A_131 = tpu.vector_load %arg5[%get3A_129, %get3A_130] {strides = array<i32>} : memref<20x1024xi32, #tpu.memory_space<vmem>>, vector<16xi32>,
      %gather3A_132 = tpu.vector_load_idx %arg6[%get3A_131] : memref<100000xf32, #tpu.memory_space<vmem>>[vector<16xi32>], vector<16xf32>,
      %add3A_133 = arith.addf %add3A_125, %gather3A_132 : vector<16xf32>
      %mul3A_134 = arith.constant 16 : i32
      %mul3A_135 = arith.muli %scan3A_22, %mul3A_134 : i32
      %get3A_136 = arith.constant 14 : i32
      %get3A_137 = arith.index_cast %get3A_136 : i32 to index
      %get3A_138 = arith.index_cast %mul3A_135 : i32 to index
      %get3A_139 = tpu.vector_load %arg5[%get3A_137, %get3A_138] {strides = array<i32>} : memref<20x1024xi32, #tpu.memory_space<vmem>>, vector<16xi32>,
      %gather3A_140 = tpu.vector_load_idx %arg6[%get3A_139] : memref<100000xf32, #tpu.memory_space<vmem>>[vector<16xi32>], vector<16xf32>,
      %add3A_141 = arith.addf %add3A_133, %gather3A_140 : vector<16xf32>
      %mul3A_142 = arith.constant 16 : i32
      %mul3A_143 = arith.muli %scan3A_22, %mul3A_142 : i32
      %get3A_144 = arith.constant 15 : i32
      %get3A_145 = arith.index_cast %get3A_144 : i32 to index
      %get3A_146 = arith.index_cast %mul3A_143 : i32 to index
      %get3A_147 = tpu.vector_load %arg5[%get3A_145, %get3A_146] {strides = array<i32>} : memref<20x1024xi32, #tpu.memory_space<vmem>>, vector<16xi32>,
      %gather3A_148 = tpu.vector_load_idx %arg6[%get3A_147] : memref<100000xf32, #tpu.memory_space<vmem>>[vector<16xi32>], vector<16xf32>,
      %add3A_149 = arith.addf %add3A_141, %gather3A_148 : vector<16xf32>
      %mul3A_150 = arith.constant 16 : i32
      %mul3A_151 = arith.muli %scan3A_22, %mul3A_150 : i32
      %get3A_152 = arith.constant 16 : i32
      %get3A_153 = arith.index_cast %get3A_152 : i32 to index
      %get3A_154 = arith.index_cast %mul3A_151 : i32 to index
      %get3A_155 = tpu.vector_load %arg5[%get3A_153, %get3A_154] {strides = array<i32>} : memref<20x1024xi32, #tpu.memory_space<vmem>>, vector<16xi32>,
      %gather3A_156 = tpu.vector_load_idx %arg6[%get3A_155] : memref<100000xf32, #tpu.memory_space<vmem>>[vector<16xi32>], vector<16xf32>,
      %add3A_157 = arith.addf %add3A_149, %gather3A_156 : vector<16xf32>
      %mul3A_158 = arith.constant 16 : i32
      %mul3A_159 = arith.muli %scan3A_22, %mul3A_158 : i32
      %get3A_160 = arith.constant 17 : i32
      %get3A_161 = arith.index_cast %get3A_160 : i32 to index
      %get3A_162 = arith.index_cast %mul3A_159 : i32 to index
      %get3A_163 = tpu.vector_load %arg5[%get3A_161, %get3A_162] {strides = array<i32>} : memref<20x1024xi32, #tpu.memory_space<vmem>>, vector<16xi32>,
      %gather3A_164 = tpu.vector_load_idx %arg6[%get3A_163] : memref<100000xf32, #tpu.memory_space<vmem>>[vector<16xi32>], vector<16xf32>,
      %add3A_165 = arith.addf %add3A_157, %gather3A_164 : vector<16xf32>
      %mul3A_166 = arith.constant 16 : i32
      %mul3A_167 = arith.muli %scan3A_22, %mul3A_166 : i32
      %get3A_168 = arith.constant 18 : i32
      %get3A_169 = arith.index_cast %get3A_168 : i32 to index
      %get3A_170 = arith.index_cast %mul3A_167 : i32 to index
      %get3A_171 = tpu.vector_load %arg5[%get3A_169, %get3A_170] {strides = array<i32>} : memref<20x1024xi32, #tpu.memory_space<vmem>>, vector<16xi32>,
      %gather3A_172 = tpu.vector_load_idx %arg6[%get3A_171] : memref<100000xf32, #tpu.memory_space<vmem>>[vector<16xi32>], vector<16xf32>,
      %add3A_173 = arith.addf %add3A_165, %gather3A_172 : vector<16xf32>
      %mul3A_174 = arith.constant 16 : i32
      %mul3A_175 = arith.muli %scan3A_22, %mul3A_174 : i32
      %get3A_176 = arith.constant 19 : i32
      %get3A_177 = arith.index_cast %get3A_176 : i32 to index
      %get3A_178 = arith.index_cast %mul3A_175 : i32 to index
      %get3A_179 = tpu.vector_load %arg5[%get3A_177, %get3A_178] {strides = array<i32>} : memref<20x1024xi32, #tpu.memory_space<vmem>>, vector<16xi32>,
      %gather3A_180 = tpu.vector_load_idx %arg6[%get3A_179] : memref<100000xf32, #tpu.memory_space<vmem>>[vector<16xi32>], vector<16xf32>,
      %add3A_181 = arith.addf %add3A_173, %gather3A_180 : vector<16xf32>
      %mul3A_182 = vector.broadcast %scan3A_16 : f32 to vector<16xf32>
      %mul3A_183 = arith.mulf %add3A_181, %mul3A_182 : vector<16xf32>
      %mul3A_184 = arith.constant 16 : i32
      %mul3A_185 = arith.muli %scan3A_22, %mul3A_184 : i32
      %swap3A = arith.index_cast %mul3A_185 : i32 to index
      %swap3A_186 = tpu.vector_load %arg7[%swap3A] {strides = array<i32>} : memref<1024xf32, #tpu.memory_space<vmem>>, vector<16xf32>,
      tpu.vector_store %arg7[%swap3A], %mul3A_183 {strides = array<i32>} : memref<1024xf32, #tpu.memory_space<vmem>>, vector<16xf32>,
    }
    %scan3A_21 = arith.constant 64 : i32
    "tpu.region"() ({
      %run_scoped3A = tpu.sem_alloc : memref<!tpu.dma_semaphore, #tpu.memory_space<semaphore_mem>>
      %dma_start3A = arith.constant 0 : i32
      %dma_start3A_22 = tpu.memref_slice %arg4[%add3A_14, %dma_start3A] : memref<64x1024xf32, #tpu.memory_space<hbm>> -> memref<1x1024xf32, #tpu.memory_space<hbm>>
      %dma_start3A_23 = tpu.memref_squeeze %dma_start3A_22 : memref<1x1024xf32, #tpu.memory_space<hbm>> -> memref<1024xf32, #tpu.memory_space<hbm>>
      %dma_start3A_24 = arith.constant 0 : i32
      %dma_start3A_25 = tpu.memref_slice %arg4[%add3A_14, %dma_start3A_24] : memref<64x1024xf32, #tpu.memory_space<hbm>> -> memref<1x1024xf32, #tpu.memory_space<hbm>>
      %dma_start3A_26 = tpu.memref_squeeze %dma_start3A_25 : memref<1x1024xf32, #tpu.memory_space<hbm>> -> memref<1024xf32, #tpu.memory_space<hbm>>
      tpu.enqueue_dma source(%arg7 : memref<1024xf32, #tpu.memory_space<vmem>>) target(%dma_start3A_26 : memref<1024xf32, #tpu.memory_space<hbm>>) target_semaphore(%run_scoped3A : memref<!tpu.dma_semaphore, #tpu.memory_space<semaphore_mem>>)
      %dma_wait3A = arith.constant 0 : i32
      %dma_wait3A_27 = tpu.memref_slice %arg4[%add3A_14, %dma_wait3A] : memref<64x1024xf32, #tpu.memory_space<hbm>> -> memref<1x1024xf32, #tpu.memory_space<hbm>>
      %dma_wait3A_28 = tpu.memref_squeeze %dma_wait3A_27 : memref<1x1024xf32, #tpu.memory_space<hbm>> -> memref<1024xf32, #tpu.memory_space<hbm>>
      %dma_wait3A_29 = arith.constant 0 : i32
      %dma_wait3A_30 = tpu.memref_slice %arg4[%add3A_14, %dma_wait3A_29] : memref<64x1024xf32, #tpu.memory_space<hbm>> -> memref<1x1024xf32, #tpu.memory_space<hbm>>
      %dma_wait3A_31 = tpu.memref_squeeze %dma_wait3A_30 : memref<1x1024xf32, #tpu.memory_space<hbm>> -> memref<1024xf32, #tpu.memory_space<hbm>>
      tpu.wait_dma2 semaphore(%run_scoped3A : memref<!tpu.dma_semaphore, #tpu.memory_space<semaphore_mem>>) src(%arg7 : memref<1024xf32, #tpu.memory_space<vmem>>) dst(%dma_wait3A_31 : memref<1024xf32, #tpu.memory_space<hbm>>)
      tpu.yield
    }) : () -> ()
    return
  }
}

module attributes {stable_mosaic.version = 14 : i64} {
  func.func @_mm_body(%arg0: i32, %arg1: memref<64x4096xf32, #tpu.memory_space<vmem>>, %arg2: memref<64x1024xf32, #tpu.memory_space<vmem>>, %arg3: memref<4096x1024xf32, #tpu.memory_space<vmem>>) attributes {dimension_semantics = [#tpu.dimension_semantics<arbitrary>], iteration_bounds = array<i64: 25>, scalar_prefetch = 0 : i64, scratch_operands = 0 : i64, tpu.core_type = #tpu.core_type<tc>, window_params = [{transform_indices = @transform_0, window_bounds = array<i64: 64, 4096>}, {pipeline_mode = #tpu.pipeline_mode<synchronous>, transform_indices = @transform_1, window_bounds = array<i64: 64, 1024>}, {transform_indices = @transform_2, window_bounds = array<i64: 4096, 1024>}]} {
    %get3A = arith.constant 0 : index
    %get3A_0 = arith.constant 0 : index
    %get3A_1 = vector.load %arg1[%get3A, %get3A_0] : memref<64x4096xf32, #tpu.memory_space<vmem>>, vector<64x4096xf32>
    %get3A_2 = arith.constant 0 : index
    %get3A_3 = arith.constant 0 : index
    %get3A_4 = vector.load %arg2[%get3A_2, %get3A_3] : memref<64x1024xf32, #tpu.memory_space<vmem>>, vector<64x1024xf32>
    %dot_general3A = arith.constant dense<0.000000e+00> : vector<4096x1024xf32>
    %dot_general3A_5 = tpu.matmul %get3A_1, %get3A_4, %dot_general3A {dimension_numbers = #tpu.dot_dimension_numbers<[0], [0], [1], [1], [0, 1, 1, 1], [], []>, transpose_lhs_hint = false} : vector<64x4096xf32>, vector<64x1024xf32>, vector<4096x1024xf32> -> vector<4096x1024xf32>
    %swap3A = arith.constant 0 : index
    %swap3A_6 = arith.constant 0 : index
    %swap3A_7 = vector.load %arg3[%swap3A, %swap3A_6] : memref<4096x1024xf32, #tpu.memory_space<vmem>>, vector<4096x1024xf32>
    tpu.vector_store %arg3[%swap3A, %swap3A_6], %dot_general3A_5 {strides = array<i32>} : memref<4096x1024xf32, #tpu.memory_space<vmem>>, vector<4096x1024xf32>,
    return
  }
  func.func @transform_0(%arg0: i32) -> (i32, i32) {
    %c0_i32 = arith.constant 0 : i32
    %c0_i32_0 = arith.constant 0 : i32
    return %c0_i32, %arg0 : i32, i32
  }
  func.func @transform_1(%arg0: i32) -> (i32, i32) {
    %c0_i32 = arith.constant 0 : i32
    %c0_i32_0 = arith.constant 0 : i32
    %c0_i32_1 = arith.constant 0 : i32
    return %c0_i32, %c0_i32_0 : i32, i32
  }
  func.func @transform_2(%arg0: i32) -> (i32, i32) {
    %c0_i32 = arith.constant 0 : i32
    %c0_i32_0 = arith.constant 0 : i32
    return %arg0, %c0_i32 : i32, i32
  }
}

</mosaic_0001>

<sc_bundles>
// kernel: kernel.4.cloned.1.call-start
scs
__scs_entry_jumppad:
0x0: {  	(pc) =	sbr.rel $0x88, $3  }
0x1: {  	(tag) =	ssettag $0x0;
	lr =	simm.s32 $0x1  }
0x2: {  	[smem:$0x3F9E] =	sst lr;
	_ =	strace $0xD0000000  }
0x3: {  	_ = 	snop  }
0x4: {  	_ = 	snop  }
0x5: {  	_ = 	snop  }
0x6: {  	_ = 	snop  }
0x7: {  	_ = 	snop  }
__scs_overlays_trampoline_lowered:
0x8: {  	[smem:$0x3FAD] =	sst s0  }
0x9: {  	[smem:$0x3FAE] =	sst s1  }
0xa: {  	[smem:$0x3FAF] =	sst s2  }
0xb: {  	[smem:$0x3FB0] =	sst s3  }
0xc: {  	[smem:$0x3FB1] =	sst s4  }
0xd: {  	[smem:$0x3FB2] =	sst s5  }
0xe: {  	[smem:$0x3FB3] =	sst s6  }
0xf: {  	[smem:$0x3FB4] =	sst s7  }
0x10: {  	[smem:$0x3FB5] =	sst s8  }
0x11: {  	[smem:$0x3FB6] =	sst s9;
	s0 =	simm.s32 @!p0 $0x0  }
0x12: {  	s1 =	sld [smem:$0x3F9C];
	s0 =	simm.s32 @p0 $0x1  }
0x13: {  	[smem:$0x3FB7] =	sst s0;
	s0 =	simm.s32 @!p1 $0x0  }
0x14: {  	s2 =	sld [smem:$0x3F9B];
	s0 =	simm.s32 @p1 $0x1  }
0x15: {  	[smem:$0x3FB8] =	sst s0;
	s0 =	simm.s32 @!p2 $0x0  }
0x16: {  	s3 =	sld [smem:$0x3FDB];
	s0 =	simm.s32 @p2 $0x1  }
0x17: {  	s4 =	simm.s32 $0x1BF5;
	[smem:$0x3FBA] =	sst s0  }
0x18: {  	s0 =	sld [smem:$0x3F9D];
	_ =	swait.ge [sflag:s4], $0x0  }
0x19: {  	s7 =	sld [smem:$0x3F9E]  }
0x1a: {  	s8 =	sadd.s32 $0xFFFFE003, lr  }
0x1b: {  	s9 =	sadd.s32 $0xFFFFFEF7, lr;
	s5 =	simm.s32 $0xFFFFFFFF;
	p2 =	slt.u32 s8, $0xFFFFF086  }
0x1c: {  	p1 =	slt.u32 s9, $0xF7A;
	s5 =	simm.s32 @!p2 $0x0  }
0x1d: {  	s5 =	simm.s32 @p1 $0x1;
	p0 =	seq.s32 s7, s2  }
0x1e: {  	s7 =	smul.u32 @!p0 $0xF7A, s2;
	p2 =	seq.s32 @!p0 s5, $0x0  }
0x1f: {  	s9 =	smul.u32 $0xF7A, s1;
	s8 =	simm.s32 @!p0 $0x1BF5;
	p2 =	por !p2, p0  }
0x20: {  	[sflag:s8] =	ssyncset.s32 @!p0 $0xFFFFF086;
	s6 =	sadd.s32 @!p0 s3, s7;
	s7 =	simm.s32 @!p0 $0x108  }
0x21: {  	s3 =	sadd.s32 s3, s9;
	s6 =	sadd.s32 @!p0 $0x88, s6;
	s7 =	simm.s32 @p2 $0x1082  }
0x22: {  	[simem:s7], [sflag:s8] =	dma.local @!p0 [hbm:s6], $0xF7A  }
0x23: {  	s9 =	sor.u32 $0xD0000000, s2;
	s6 =	simm.s32 $0x108;
	_ =	swait.ge @!p0 [sflag:s8], $0x0  }
0x24: {  	s3 =	sadd.s32 $0x88, s3;
	s6 =	simm.s32 @!p1 $0x1082;
	[sflag:s4] =	ssyncset.s32 $0xFFFFF086  }
0x25: {  	[simem:s6], [sflag:s4] =	dma.local [hbm:s3], $0xF7A  }
0x26: {  	[smem:$0x3F9E] =	sst s1;
	(tag) =	ssettag s2;
	_ =	strace s9  }
0x27: {  	s1 =	sld [smem:$0x3FAE]  }
0x28: {  	s2 =	sld [smem:$0x3FAF]  }
0x29: {  	s4 =	sld [smem:$0x3FB1]  }
0x2a: {  	p0 =	seq.s32 s5, $0x0;
	s5 =	sld [smem:$0x3FB2]  }
0x2b: {  	s6 =	sld [smem:$0x3FB3]  }
0x2c: {  	s7 =	sld [smem:$0x3FB4]  }
0x2d: {  	s3 =	simm.s32 $0x108;
	s8 =	sld [smem:$0x3FB5]  }
0x2e: {  	s3 =	simm.s32 @!p0 $0x1082;
	s9 =	sld [smem:$0x3FB6]  }
0x2f: {  	lr =	sadd.s32 s0, s3;
	s0 =	sld [smem:$0x3FAD]  }
0x30: {  	s3 =	sld [smem:$0x3FB0]  }
0x31: {  	[smem:$0x3FB9] =	sst s10  }
0x32: {  	s10 =	sld [smem:$0x3FB7];
	_ =	sdelay $0x3  }
0x33: {  	p0 =	seq.s32 s10, $0x1;
	s10 =	sld [smem:$0x3FB9];
	_ =	sdelay $0x3  }
0x34: {  	[smem:$0x3FB9] =	sst s10  }
0x35: {  	s10 =	sld [smem:$0x3FB8];
	_ =	sdelay $0x3  }
0x36: {  	p1 =	seq.s32 s10, $0x1;
	s10 =	sld [smem:$0x3FB9];
	_ =	sdelay $0x3  }
0x37: {  	[smem:$0x3FB9] =	sst s10  }
0x38: {  	s10 =	sld [smem:$0x3FBA]  }
0x39: {  	_ = 	snop;
	(pc) =	sbr.ind lr, $3  }
0x3a: {  	_ = 	snop  }
0x3b: {  	_ = 	snop  }
0x3c: {  	p2 =	seq.s32 s10, $0x1;
	s10 =	sld [smem:$0x3FB9]  }
0x3d: {  	_ =	shalt  }
0x3e: {  	_ =	shalt  }
0x3f: {  	_ =	shalt  }
0x40: {  	_ =	shalt  }
0x41: {  	_ =	shalt  }
0x42: {  	_ =	shalt  }
0x43: {  	_ =	shalt  }
0x44: {  	_ =	shalt  }
0x45: {  	_ =	shalt  }
0x46: {  	_ =	shalt  }
0x47: {  	_ =	shalt  }
0x48: {  	_ =	shalt  }
0x49: {  	_ =	shalt  }
0x4a: {  	_ =	shalt  }
0x4b: {  	_ =	shalt  }
0x4c: {  	_ =	shalt  }
0x4d: {  	_ =	shalt  }
0x4e: {  	_ =	shalt  }
0x4f: {  	_ =	shalt  }
0x50: {  	_ =	shalt  }
0x51: {  	_ =	shalt  }
0x52: {  	_ =	shalt  }
0x53: {  	_ =	shalt  }
0x54: {  	_ =	shalt  }
0x55: {  	_ =	shalt  }
0x56: {  	_ =	shalt  }
0x57: {  	_ =	shalt  }
0x58: {  	_ =	shalt  }
0x59: {  	_ =	shalt  }
0x5a: {  	_ =	shalt  }
0x5b: {  	_ =	shalt  }
0x5c: {  	_ =	shalt  }
0x5d: {  	_ =	shalt  }
0x5e: {  	_ =	shalt  }
0x5f: {  	_ =	shalt  }
0x60: {  	_ =	shalt  }
0x61: {  	_ =	shalt  }
0x62: {  	_ =	shalt  }
0x63: {  	_ =	shalt  }
0x64: {  	_ =	shalt  }
0x65: {  	_ =	shalt  }
0x66: {  	_ =	shalt  }
0x67: {  	_ =	shalt  }
0x68: {  	_ =	shalt  }
0x69: {  	_ =	shalt  }
0x6a: {  	_ =	shalt  }
0x6b: {  	_ =	shalt  }
0x6c: {  	_ =	shalt  }
0x6d: {  	_ =	shalt  }
0x6e: {  	_ =	shalt  }
0x6f: {  	_ =	shalt  }
0x70: {  	_ =	shalt  }
0x71: {  	_ =	shalt  }
0x72: {  	_ =	shalt  }
0x73: {  	_ =	shalt  }
0x74: {  	_ =	shalt  }
0x75: {  	_ =	shalt  }
0x76: {  	_ =	shalt  }
0x77: {  	_ =	shalt  }
0x78: {  	_ =	shalt  }
0x79: {  	_ =	shalt  }
0x7a: {  	_ =	shalt  }
0x7b: {  	_ =	shalt  }
0x7c: {  	_ =	shalt  }
0x7d: {  	_ =	shalt  }
0x7e: {  	_ =	shalt  }
0x7f: {  	_ =	shalt  }
0x80: {  	_ =	shalt  }
0x81: {  	_ =	shalt  }
0x82: {  	_ =	shalt  }
0x83: {  	_ =	shalt  }
0x84: {  	_ =	shalt  }
0x85: {  	_ =	shalt  }
0x86: {  	_ =	shalt  }
0x87: {  	_ =	shalt  }
.Lfunc_end0:
.L_simem_size_0:
called_computation_lowered:
.L_overlay_start_0:
0x88: {  	s2 =	sld [smem:$0x3FD9]  }
0x89: {  	s3 =	sld [smem:$0x3FFE];
	_ =	sdelay $0x1  }
0x8a: {  	s1 =	srdreg.scid  }
0x8b: {  	s0 =	sand.u32 $0x1, s1  }
0x8c: {  	s17 =	sshll.u32 s0, $0xA;
	s2 =	sadd.s32 s3, s2  }
0x8d: {  	s2 =	sadd.s32 s2, s17  }
0x8e: {  	[smem:$0x3FC5] =	sst s2  }
0x8f: {  	_ = 	snop  }
0x90: {  	s2 =	sld [smem:$0x3FD0];
	(tm) =	ssettm $0x1  }
0x91: {  	s18 =	sld [smem:$0x3FFB];
	_ =	sdelay $0x3  }
0x92: {  	_ =	strace s18  }
0x93: {  	s3 =	sld [smem:$0x3FFC];
	_ =	sdelay $0x3  }
0x94: {  	_ =	strace s3  }
0x95: {  	s3 =	sld [smem:$0x3FFD];
	_ =	sdelay $0x3  }
0x96: {  	_ =	strace s3  }
0x97: {  	_ =	strace $0x8FFFFFFF  }
0x98: {  	s19 =	sld [smem:$0x3FDB];
	_ =	sdelay $0x1  }
0x99: {  	s4 =	simm.s32 $_scs_section_size  }
0x9a: {  	s5 =	simm.s32 $_size__tile_overlayer_lowered;
	s6 =	simm.s32 $_tile_overlayer_lowered  }
0x9b: {  	s22 =	simm.s32 $0x1BFF;
	s21 =	sshll.u32 s6, $0x1;
	s3 =	sadd.s32 s4, s19  }
0x9c: {  	s7 =	simm.s32 $0x0;
	s20 =	sshll.u32 s5, $0x1;
	s5 =	sadd.s32 s21, s3  }
0x9d: {  	[timem:s7], [sflag:s22] =	dma.local [hbm:s5], s20  }
0x9e: {  	_ =	swait.ge [sflag:s22], s20  }
0x9f: {  	s4 =	ssub.s32 $0x0, s20;
	[sflag:s22] =	ssyncset.done $0x0  }
0xa0: {  	[sflag:s22] =	ssyncadd.s32 s4;
	_ =	sdelay $0x1  }
0xa1: {  	s23 =	simm.s32 $0x1B8B  }
0xa2: {  	_ =	swait.ge [sflag:s23], $0x1  }
0xa3: {  	[sflag:s23] =	ssyncset.done $0x0  }
0xa4: {  	s25 =	simm.s32 $0x1B8E;
	s24 =	sld [smem:$0x3FFE];
	[sflag:s23] =	ssyncadd.s32 $0xFFFFFFFF  }
0xa5: {  	s26 =	simm.s32 $execute0_lowered;
	[smem:$0x3FD2] =	sst s25  }
0xa6: {  	s5 =	sshll.u32 s26, $0x1;
	_ =	strace $0x80000046;
	[dreg:$0x1] =	wrdreg $0xFFFFFFFF  }
0xa7: {  	s28 =	simm.s32 $_size_execute0_lowered;
	s3 =	sadd.s32 s3, s5;
	[dreg:$0x0] =	wrdreg $0x0  }
0xa8: {  	s5 =	sshll.u32 s28, $0x1;
	[dreg:$0x2] =	wrdreg s3  }
0xa9: {  	[dreg:$0x3] =	wrdreg s5  }
0xaa: {  	[dreg:$0x4] =	wrdreg $0xC0  }
0xab: {  	_ =	task [dreg:s7], $0x5FFFF  }
0xac: {  	[dreg:$0x1] =	wrdreg $0xFFFFFFFF  }
0xad: {  	[dreg:$0x0] =	wrdreg $0x60  }
0xae: {  	[dreg:$0x2] =	wrdreg s2  }
0xaf: {  	[dreg:$0x3] =	wrdreg s24  }
0xb0: {  	[dreg:$0x4] =	wrdreg $0x9  }
0xb1: {  	_ =	task.clear_ibuf [dreg:s7], $0x5FFFF;
	_ =	strace $0x90000046  }
0xb2: {  	s29 =	simm.s32 $0x9;
	_ =	strace $0x80000048  }
0xb3: {  	_ =	swait.ge [sflag:s29], $0x1  }
0xb4: {  	[sflag:s29] =	ssyncadd.s32 $0xFFFFFFFF  }
0xb5: {  	_ =	strace $0x90000048  }
0xb6: {  	_ =	sfence  }
0xb7: {  	s30 =	sld [smem:$0x0];
	_ =	sdelay $0x2  }
0xb8: {  	s31 =	sshll.u32 s1, $0xD;
	s1 =	sshrl.u32 s1, $0x2  }
0xb9: {  	s3 =	sand.u32 $0x4000, s31;
	s1 =	sadd.s32 s1, s30  }
0xba: {  	s0 =	sor.u32 s3, s0;
	s1 =	sshll.u32 s1, $0x11  }
0xbb: {  	s0 =	sor.u32 s1, s0  }
0xbc: {  	s0 =	sadd.s32 $0x8F2B, s0  }
0xbd: {  	[sflag:s0] =	ssyncadd.remote.s32 $0x1  }
0xbe: {  	_ =	sfence.sel $0xFFFF  }
0xbf: {  	[dreg:$0x0] =	wrdreg $0xFFFFFFFF;
	(pc) =	sbr.abs _section_cstart, $3  }
0xc0: {  	[dreg:$0x1] =	wrdreg $0xFFFFFFFF  }
0xc1: {  	_ =	task.clear_ibuf [dreg:s7], $0x2FFFF;
	_ =	strace $0x9FFFFFFF  }
0xc2: {  	(tm) =	ssettm $0x7FFFFFFF  }
0xc3: {  	_ =	shalt  }
tec
execute0_lowered:
.L_overlay_start_1:
0x0: {  	(tag) =	ssettag $0x1  }
0x1: {  	s6 =	rddreg [dreg:$0x0]  }
0x2: {  	s4 =	rddreg [dreg:$0x1]  }
0x3: {  	s0 =	rddreg [dreg:$0x2];
	s3 =	srdreg.scid  }
0x4: {  	s2 =	simm.s32 $0x0;
	s1 =	stileid.u32;
	s5 =	sand.u32 $0x1, s3  }
0x5: {  	[smem:$0x7FF] =	sst s2;
	s7 =	sshll.u32 s1, $0x2;
	s3 =	sadd.s32 $0x400, s4  }
0x6: {  	s10 =	sadd.s32 $0xE00, s4;
	s8 =	sshll.u32 s5, $0x1;
	s5 =	ssub.s32 $0x2, s5  }
0x7: {  	_ =	strace $0x80000047;
	s7 =	sor.u32 s8, s7;
	s29 =	sshrl.u32 s5, $0x1  }
0x8: {  	s8 =	smul.u32 $0x30D4, s7;
	s9 =	sor.u32 $0x1, s7;
	s30 =	sshll.u32 s7, $0x7  }
0x9: {  	s12 =	ssub.s32 s5, s29;
	s11 =	smul.u32 $0x30D4, s9;
	s5 =	sadd.s32 s10, s30  }
0xa: {  	s31 =	sshll.u32 s9, $0x7;
	s9 =	simm.s32 $0x1;
	s4 =	sadd.s32 s6, s8  }
0xb: {  	s7 =	sadd.s32 s10, s31;
	s8 =	smax.u32 s12, $0x1;
	s10 =	simm.s32 $0x5000  }
0xc: {  	s12 =	simm.s32 $0x0;
	s6 =	sadd.s32 s6, s11;
	s11 =	simm.s32 $0x1D6A0  }
.LBB2_1:
0xd: {  	[tilespmem:s2], [sflag:$0x1] =	stream.linear.gather [hbm4b:s3+s2], $0x5000, $0x38;
	[tilespmem:$0x1DAA0] =	vst v63  }
0xe: {  	_ =	swait.ge [sflag:s9], $0x5000  }
0xf: {  	[sflag:s9] =	ssyncset.done $0x0  }
0x10: {  	[sflag:s9] =	ssyncadd.s32 $0xFFFFB000  }
0x11: {  	[tilespmem:s10], [sflag:$0x1] =	stream.linear.gather [hbm4b:s4+s2], $0x186A0, $0x38;
	[tilespmem:$0x1DAA0] =	vst v63  }
0x12: {  	_ =	swait.ge [sflag:s9], $0x186A0  }
0x13: {  	[sflag:s9] =	ssyncset.done $0x0  }
0x14: {  	s13 =	simm.s32 $0x0;
	[sflag:s9] =	ssyncadd.s32 $0xFFFE7960  }
0x15: {  	v0 =	vld [tilespmem:s13+$0x0];
	_ =	sdelay $0x1  }
0x16: {  	v1 =	vld [tilespmem:s13+$0x400];
	_ =	sdelay $0x1  }
0x17: {  	v2 =	vld [tilespmem:s13+$0x800];
	_ =	sdelay $0x1  }
0x18: {  	v3 =	vld [tilespmem:s13+$0xC00]  }
0x19: {  	v4 =	vld [tilespmem:s13+$0x1000]  }
0x1a: {  	v0 =	vld.idx.msk [tilespmem:v0+s10+$0x0], $0xffff  }
0x1b: {  	v5 =	vld [tilespmem:s13+$0x1400]  }
0x1c: {  	v1 =	vld.idx.msk [tilespmem:v1+s10+$0x0], $0xffff  }
0x1d: {  	v6 =	vld [tilespmem:s13+$0x1800]  }
0x1e: {  	v2 =	vld.idx.msk [tilespmem:v2+s10+$0x0], $0xffff  }
0x1f: {  	v7 =	vld [tilespmem:s13+$0x1C00];
	v0 =	vadd.f32 $0.0e+00, v0  }
0x20: {  	v3 =	vld.idx.msk [tilespmem:v3+s10+$0x0], $0xffff  }
0x21: {  	v8 =	vld [tilespmem:s13+$0x2000];
	v0 =	vadd.f32 v1, v0  }
0x22: {  	v1 =	vld.idx.msk [tilespmem:v4+s10+$0x0], $0xffff  }
0x23: {  	v53 =	vld [tilespmem:s13+$0x2400];
	v0 =	vadd.f32 v2, v0  }
0x24: {  	v2 =	vld.idx.msk [tilespmem:v5+s10+$0x0], $0xffff  }
0x25: {  	v54 =	vld [tilespmem:s13+$0x2800];
	v0 =	vadd.f32 v3, v0  }
0x26: {  	v3 =	vld.idx.msk [tilespmem:v6+s10+$0x0], $0xffff  }
0x27: {  	v55 =	vld [tilespmem:s13+$0x2C00];
	v0 =	vadd.f32 v1, v0  }
0x28: {  	v1 =	vld.idx.msk [tilespmem:v7+s10+$0x0], $0xffff  }
0x29: {  	v56 =	vld [tilespmem:s13+$0x3000];
	v0 =	vadd.f32 v2, v0  }
0x2a: {  	v2 =	vld.idx.msk [tilespmem:v8+s10+$0x0], $0xffff  }
0x2b: {  	v57 =	vld [tilespmem:s13+$0x3400];
	v0 =	vadd.f32 v3, v0  }
0x2c: {  	v3 =	vld.idx.msk [tilespmem:v53+s10+$0x0], $0xffff  }
0x2d: {  	v58 =	vld [tilespmem:s13+$0x3800];
	v0 =	vadd.f32 v1, v0  }
0x2e: {  	v1 =	vld.idx.msk [tilespmem:v54+s10+$0x0], $0xffff  }
0x2f: {  	v59 =	vld [tilespmem:s13+$0x3C00];
	v0 =	vadd.f32 v2, v0  }
0x30: {  	v2 =	vld.idx.msk [tilespmem:v55+s10+$0x0], $0xffff  }
0x31: {  	v60 =	vld [tilespmem:s13+$0x4000];
	v0 =	vadd.f32 v3, v0  }
0x32: {  	v3 =	vld.idx.msk [tilespmem:v56+s10+$0x0], $0xffff  }
0x33: {  	v0 =	vadd.f32 v1, v0  }
0x34: {  	v1 =	vld.idx.msk [tilespmem:v57+s10+$0x0], $0xffff  }
0x35: {  	v61 =	vld [tilespmem:s13+$0x4400];
	v0 =	vadd.f32 v2, v0  }
0x36: {  	v2 =	vld.idx.msk [tilespmem:v58+s10+$0x0], $0xffff  }
0x37: {  	v62 =	vld [tilespmem:s13+$0x4800];
	v0 =	vadd.f32 v3, v0  }
0x38: {  	v3 =	vld.idx.msk [tilespmem:v59+s10+$0x0], $0xffff  }
0x39: {  	v63 =	vld [tilespmem:s13+$0x4C00];
	v0 =	vadd.f32 v1, v0  }
0x3a: {  	v1 =	vld.idx.msk [tilespmem:v60+s10+$0x0], $0xffff  }
0x3b: {  	v0 =	vadd.f32 v2, v0;
	_ =	sdelay $0x1  }
0x3c: {  	v2 =	vld.idx.msk [tilespmem:v61+s10+$0x0], $0xffff;
	v0 =	vadd.f32 v3, v0;
	_ =	sdelay $0x1  }
0x3d: {  	v3 =	vadd.f32 v1, v0;
	v1 =	vld.idx.msk [tilespmem:v62+s10+$0x0], $0xffff;
	_ =	sdelay $0x1  }
0x3e: {  	v0 =	vld.idx.msk [tilespmem:v63+s10+$0x0], $0xffff  }
0x3f: {  	s15 =	simm.s32 $0x10;
	s14 =	simm.s32 $0x80;
	v2 =	vadd.f32 v2, v3  }
.LBB2_2:
0x40: {  	p0 =	sne.s32 s14, $0xFC0;
	v3 =	vld [tilespmem:s15+$0x0]  }
0x41: {  	v1 =	vadd.f32 v1, v2  }
0x42: {  	v2 =	vld [tilespmem:s15+$0x400]  }
0x43: {  	v0 =	vadd.f32 v0, v1  }
0x44: {  	v1 =	vld [tilespmem:s15+$0x800]  }
0x45: {  	v0 =	vmul.f32 $5.000000070e-02, v0  }
0x46: {  	v4 =	vld [tilespmem:s15+$0xC00]  }
0x47: {  	v5 =	vld [tilespmem:s15+$0x1000];
	[tilespmem:s13+$0x1D6A0] =	vst v0;
	s13 =	smov.u32 s15  }
0x48: {  	v0 =	vld.idx.msk [tilespmem:v3+s10+$0x0], $0xffff  }
0x49: {  	v3 =	vld [tilespmem:s13+$0x1400]  }
0x4a: {  	v2 =	vld.idx.msk [tilespmem:v2+s10+$0x0], $0xffff  }
0x4b: {  	v6 =	vld [tilespmem:s13+$0x1800]  }
0x4c: {  	v1 =	vld.idx.msk [tilespmem:v1+s10+$0x0], $0xffff  }
0x4d: {  	v7 =	vld [tilespmem:s13+$0x1C00]  }
0x4e: {  	v0 =	vadd.f32 $0.0e+00, v0;
	v4 =	vld.idx.msk [tilespmem:v4+s10+$0x0], $0xffff  }
0x4f: {  	v8 =	vld [tilespmem:s13+$0x2000]  }
0x50: {  	v0 =	vadd.f32 v2, v0;
	v2 =	vld.idx.msk [tilespmem:v5+s10+$0x0], $0xffff  }
0x51: {  	v5 =	vld [tilespmem:s13+$0x2400]  }
0x52: {  	v0 =	vadd.f32 v1, v0;
	v1 =	vld.idx.msk [tilespmem:v3+s10+$0x0], $0xffff  }
0x53: {  	v3 =	vld [tilespmem:s13+$0x2800]  }
0x54: {  	v0 =	vadd.f32 v4, v0;
	v4 =	vld.idx.msk [tilespmem:v6+s10+$0x0], $0xffff  }
0x55: {  	v6 =	vld [tilespmem:s13+$0x2C00]  }
0x56: {  	v0 =	vadd.f32 v2, v0;
	v2 =	vld.idx.msk [tilespmem:v7+s10+$0x0], $0xffff  }
0x57: {  	v7 =	vld [tilespmem:s13+$0x3000]  }
0x58: {  	v0 =	vadd.f32 v1, v0;
	v1 =	vld.idx.msk [tilespmem:v8+s10+$0x0], $0xffff  }
0x59: {  	v8 =	vld [tilespmem:s13+$0x3400]  }
0x5a: {  	v0 =	vadd.f32 v4, v0;
	v4 =	vld.idx.msk [tilespmem:v5+s10+$0x0], $0xffff  }
0x5b: {  	v5 =	vld [tilespmem:s13+$0x3800]  }
0x5c: {  	v0 =	vadd.f32 v2, v0;
	v2 =	vld.idx.msk [tilespmem:v3+s10+$0x0], $0xffff  }
0x5d: {  	v3 =	vld [tilespmem:s13+$0x3C00]  }
0x5e: {  	v0 =	vadd.f32 v1, v0;
	v1 =	vld.idx.msk [tilespmem:v6+s10+$0x0], $0xffff  }
0x5f: {  	v6 =	vld [tilespmem:s13+$0x4000]  }
0x60: {  	v0 =	vadd.f32 v4, v0;
	v4 =	vld.idx.msk [tilespmem:v7+s10+$0x0], $0xffff  }
0x61: {  	v7 =	vld [tilespmem:s13+$0x4400]  }
0x62: {  	v0 =	vadd.f32 v2, v0;
	v2 =	vld.idx.msk [tilespmem:v8+s10+$0x0], $0xffff  }
0x63: {  	v8 =	vld [tilespmem:s13+$0x4800]  }
0x64: {  	v0 =	vadd.f32 v1, v0;
	v1 =	vld.idx.msk [tilespmem:v5+s10+$0x0], $0xffff  }
0x65: {  	v5 =	vld [tilespmem:s13+$0x4C00]  }
0x66: {  	v0 =	vadd.f32 v4, v0;
	v3 =	vld.idx.msk [tilespmem:v3+s10+$0x0], $0xffff;
	_ =	sdelay $0x1  }
0x67: {  	v0 =	vadd.f32 v2, v0;
	v2 =	vld.idx.msk [tilespmem:v6+s10+$0x0], $0xffff;
	_ =	sdelay $0x1  }
0x68: {  	v0 =	vadd.f32 v1, v0;
	v4 =	vld.idx.msk [tilespmem:v7+s10+$0x0], $0xffff;
	_ =	sdelay $0x1  }
.Ltmp0:
0x69: {  	v0 =	vadd.f32 v3, v0;
	v1 =	vld.idx.msk [tilespmem:v8+s10+$0x0], $0xffff;
	(pc) =	sbr.rel @p0 .LBB2_2-.Ltmp0, $3  }
0x6a: {  	_ = 	snop  }
0x6b: {  	v2 =	vadd.f32 v2, v0;
	v0 =	vld.idx.msk [tilespmem:v5+s10+$0x0], $0xffff;
	_ =	sdelay $0x1  }
0x6c: {  	s15 =	sshra.s32 s14, $0x2;
	s14 =	sadd.s32 $0x40, s14;
	v2 =	vadd.f32 v4, v2  }
0x6d: {  	v3 =	vld [tilespmem:s15+$0x0]  }
0x6e: {  	v1 =	vadd.f32 v1, v2  }
0x6f: {  	v2 =	vld [tilespmem:s15+$0x400]  }
0x70: {  	v0 =	vadd.f32 v0, v1  }
0x71: {  	v1 =	vld [tilespmem:s15+$0x800]  }
0x72: {  	v0 =	vmul.f32 $5.000000070e-02, v0  }
0x73: {  	v4 =	vld [tilespmem:s15+$0xC00]  }
0x74: {  	v5 =	vld [tilespmem:s15+$0x1000];
	[tilespmem:s13+$0x1D6A0] =	vst v0  }
0x75: {  	v0 =	vld.idx.msk [tilespmem:v3+s10+$0x0], $0xffff  }
0x76: {  	v3 =	vld [tilespmem:s15+$0x1400]  }
0x77: {  	v2 =	vld.idx.msk [tilespmem:v2+s10+$0x0], $0xffff  }
0x78: {  	v6 =	vld [tilespmem:s15+$0x1800]  }
0x79: {  	v1 =	vld.idx.msk [tilespmem:v1+s10+$0x0], $0xffff  }
0x7a: {  	v7 =	vld [tilespmem:s15+$0x1C00];
	v0 =	vadd.f32 $0.0e+00, v0  }
0x7b: {  	v4 =	vld.idx.msk [tilespmem:v4+s10+$0x0], $0xffff  }
0x7c: {  	v8 =	vld [tilespmem:s15+$0x2000];
	v0 =	vadd.f32 v2, v0  }
0x7d: {  	v2 =	vld.idx.msk [tilespmem:v5+s10+$0x0], $0xffff  }
0x7e: {  	v36 =	vld [tilespmem:s15+$0x2400];
	v0 =	vadd.f32 v1, v0  }
0x7f: {  	v1 =	vld.idx.msk [tilespmem:v3+s10+$0x0], $0xffff  }
0x80: {  	v37 =	vld.idx.msk [tilespmem:v6+s10+$0x0], $0xffff;
	v0 =	vadd.f32 v4, v0  }
0x81: {  	v3 =	vld [tilespmem:s15+$0x2800]  }
0x82: {  	v38 =	vld [tilespmem:s15+$0x2C00];
	v0 =	vadd.f32 v2, v0  }
0x83: {  	v2 =	vld.idx.msk [tilespmem:v7+s10+$0x0], $0xffff  }
0x84: {  	v39 =	vld [tilespmem:s15+$0x3000];
	v0 =	vadd.f32 v1, v0  }
0x85: {  	v1 =	vld.idx.msk [tilespmem:v8+s10+$0x0], $0xffff  }
0x86: {  	v40 =	vld [tilespmem:s15+$0x3400];
	v0 =	vadd.f32 v37, v0  }
0x87: {  	v41 =	vld.idx.msk [tilespmem:v36+s10+$0x0], $0xffff  }
0x88: {  	v42 =	vld [tilespmem:s15+$0x3800];
	v0 =	vadd.f32 v2, v0  }
0x89: {  	v2 =	vld.idx.msk [tilespmem:v3+s10+$0x0], $0xffff  }
0x8a: {  	v3 =	vld [tilespmem:s15+$0x3C00];
	v0 =	vadd.f32 v1, v0  }
0x8b: {  	v1 =	vld.idx.msk [tilespmem:v38+s10+$0x0], $0xffff  }
0x8c: {  	v43 =	vld [tilespmem:s15+$0x4000];
	v0 =	vadd.f32 v41, v0  }
0x8d: {  	v44 =	vld.idx.msk [tilespmem:v39+s10+$0x0], $0xffff  }
0x8e: {  	v45 =	vld [tilespmem:s15+$0x4400];
	v0 =	vadd.f32 v2, v0  }
0x8f: {  	v2 =	vld.idx.msk [tilespmem:v40+s10+$0x0], $0xffff  }
0x90: {  	v46 =	vld [tilespmem:s15+$0x4800];
	v0 =	vadd.f32 v1, v0  }
0x91: {  	v1 =	vld.idx.msk [tilespmem:v42+s10+$0x0], $0xffff  }
0x92: {  	v47 =	vld [tilespmem:s15+$0x4C00];
	v0 =	vadd.f32 v44, v0  }
0x93: {  	v3 =	vld.idx.msk [tilespmem:v3+s10+$0x0], $0xffff  }
0x94: {  	v0 =	vadd.f32 v2, v0  }
0x95: {  	v2 =	vld.idx.msk [tilespmem:v43+s10+$0x0], $0xffff  }
0x96: {  	v0 =	vadd.f32 v1, v0  }
0x97: {  	v1 =	vld.idx.msk [tilespmem:v45+s10+$0x0], $0xffff  }
0x98: {  	v0 =	vadd.f32 v3, v0  }
0x99: {  	v3 =	vld.idx.msk [tilespmem:v46+s10+$0x0], $0xffff  }
0x9a: {  	v0 =	vadd.f32 v2, v0  }
0x9b: {  	v2 =	vld.idx.msk [tilespmem:v47+s10+$0x0], $0xffff  }
0x9c: {  	v0 =	vadd.f32 v1, v0;
	_ =	sdelay $0x1  }
0x9d: {  	v0 =	vadd.f32 v3, v0;
	_ =	sdelay $0x1  }
0x9e: {  	v0 =	vadd.f32 v2, v0;
	_ =	sdelay $0x1  }
0x9f: {  	v0 =	vmul.f32 $5.000000070e-02, v0;
	_ =	sdelay $0x1  }
0xa0: {  	s31 =	simm.s32 $0x0;
	[tilespmem:s15+$0x1D6A0] =	vst v0  }
0xa1: {  	[hbm4b:s5+s31] =	stream.linear.scatter [tilespmem:s11], [sflag:$0x1], $0x400, $0x38;
	[tilespmem:$0x1DAA0] =	vst v63  }
0xa2: {  	_ =	swait.ge [sflag:s9], $0x400  }
0xa3: {  	[sflag:s9] =	ssyncset.done $0x0  }
0xa4: {  	[sflag:s9] =	ssyncadd.s32 $0xFFFFFC00  }
0xa5: {  	[tilespmem:s10], [sflag:$0x1] =	stream.linear.gather [hbm4b:s6+s31], $0x186A0, $0x38;
	[tilespmem:$0x1DAA0] =	vst v63  }
0xa6: {  	_ =	swait.ge [sflag:s9], $0x186A0  }
0xa7: {  	[sflag:s9] =	ssyncset.done $0x0  }
0xa8: {  	s13 =	simm.s32 $0x0;
	[sflag:s9] =	ssyncadd.s32 $0xFFFE7960  }
0xa9: {  	v0 =	vld [tilespmem:s13+$0x0];
	_ =	sdelay $0x1  }
0xaa: {  	v1 =	vld [tilespmem:s13+$0x400];
	_ =	sdelay $0x1  }
0xab: {  	v2 =	vld [tilespmem:s13+$0x800];
	_ =	sdelay $0x1  }
0xac: {  	v3 =	vld [tilespmem:s13+$0xC00]  }
0xad: {  	v48 =	vld [tilespmem:s13+$0x1000]  }
0xae: {  	v0 =	vld.idx.msk [tilespmem:v0+s10+$0x0], $0xffff  }
0xaf: {  	v49 =	vld [tilespmem:s13+$0x1400]  }
0xb0: {  	v1 =	vld.idx.msk [tilespmem:v1+s10+$0x0], $0xffff  }
0xb1: {  	v50 =	vld [tilespmem:s13+$0x1800]  }
0xb2: {  	v2 =	vld.idx.msk [tilespmem:v2+s10+$0x0], $0xffff  }
0xb3: {  	v51 =	vld [tilespmem:s13+$0x1C00];
	v0 =	vadd.f32 $0.0e+00, v0  }
0xb4: {  	v3 =	vld.idx.msk [tilespmem:v3+s10+$0x0], $0xffff  }
0xb5: {  	v52 =	vld [tilespmem:s13+$0x2000];
	v0 =	vadd.f32 v1, v0  }
0xb6: {  	v1 =	vld.idx.msk [tilespmem:v48+s10+$0x0], $0xffff  }
0xb7: {  	v53 =	vld [tilespmem:s13+$0x2400];
	v0 =	vadd.f32 v2, v0  }
0xb8: {  	v2 =	vld.idx.msk [tilespmem:v49+s10+$0x0], $0xffff  }
0xb9: {  	v54 =	vld [tilespmem:s13+$0x2800];
	v0 =	vadd.f32 v3, v0  }
0xba: {  	v3 =	vld.idx.msk [tilespmem:v50+s10+$0x0], $0xffff  }
0xbb: {  	v55 =	vld [tilespmem:s13+$0x2C00];
	v0 =	vadd.f32 v1, v0  }
0xbc: {  	v1 =	vld.idx.msk [tilespmem:v51+s10+$0x0], $0xffff  }
0xbd: {  	v56 =	vld [tilespmem:s13+$0x3000];
	v0 =	vadd.f32 v2, v0  }
0xbe: {  	v2 =	vld.idx.msk [tilespmem:v52+s10+$0x0], $0xffff  }
0xbf: {  	v57 =	vld [tilespmem:s13+$0x3400];
	v0 =	vadd.f32 v3, v0  }
0xc0: {  	v3 =	vld.idx.msk [tilespmem:v53+s10+$0x0], $0xffff  }
0xc1: {  	v58 =	vld [tilespmem:s13+$0x3800];
	v0 =	vadd.f32 v1, v0  }
0xc2: {  	v1 =	vld.idx.msk [tilespmem:v54+s10+$0x0], $0xffff  }
0xc3: {  	v59 =	vld [tilespmem:s13+$0x3C00];
	v0 =	vadd.f32 v2, v0  }
0xc4: {  	v2 =	vld.idx.msk [tilespmem:v55+s10+$0x0], $0xffff  }
0xc5: {  	v60 =	vld [tilespmem:s13+$0x4000];
	v0 =	vadd.f32 v3, v0  }
0xc6: {  	v3 =	vld.idx.msk [tilespmem:v56+s10+$0x0], $0xffff  }
0xc7: {  	v0 =	vadd.f32 v1, v0  }
0xc8: {  	v1 =	vld.idx.msk [tilespmem:v57+s10+$0x0], $0xffff  }
0xc9: {  	v61 =	vld [tilespmem:s13+$0x4400];
	v0 =	vadd.f32 v2, v0  }
0xca: {  	v2 =	vld.idx.msk [tilespmem:v58+s10+$0x0], $0xffff  }
0xcb: {  	v62 =	vld [tilespmem:s13+$0x4800];
	v0 =	vadd.f32 v3, v0  }
0xcc: {  	v3 =	vld.idx.msk [tilespmem:v59+s10+$0x0], $0xffff  }
0xcd: {  	v63 =	vld [tilespmem:s13+$0x4C00];
	v0 =	vadd.f32 v1, v0  }
0xce: {  	v1 =	vld.idx.msk [tilespmem:v60+s10+$0x0], $0xffff  }
0xcf: {  	v0 =	vadd.f32 v2, v0;
	_ =	sdelay $0x1  }
0xd0: {  	v2 =	vld.idx.msk [tilespmem:v61+s10+$0x0], $0xffff;
	v0 =	vadd.f32 v3, v0;
	_ =	sdelay $0x1  }
0xd1: {  	v3 =	vadd.f32 v1, v0;
	v1 =	vld.idx.msk [tilespmem:v62+s10+$0x0], $0xffff;
	_ =	sdelay $0x1  }
0xd2: {  	v0 =	vld.idx.msk [tilespmem:v63+s10+$0x0], $0xffff  }
0xd3: {  	s14 =	simm.s32 $0x80;
	s15 =	simm.s32 $0x10;
	v2 =	vadd.f32 v2, v3  }
.LBB2_4:
0xd4: {  	p0 =	sne.s32 s14, $0xFC0;
	v3 =	vld [tilespmem:s15+$0x0]  }
0xd5: {  	v1 =	vadd.f32 v1, v2  }
0xd6: {  	v2 =	vld [tilespmem:s15+$0x400]  }
0xd7: {  	v0 =	vadd.f32 v0, v1  }
0xd8: {  	v1 =	vld [tilespmem:s15+$0x800]  }
0xd9: {  	v0 =	vmul.f32 $5.000000070e-02, v0  }
0xda: {  	v4 =	vld [tilespmem:s15+$0xC00]  }
0xdb: {  	v5 =	vld [tilespmem:s15+$0x1000];
	[tilespmem:s13+$0x1D6A0] =	vst v0;
	s13 =	smov.u32 s15  }
0xdc: {  	v0 =	vld.idx.msk [tilespmem:v3+s10+$0x0], $0xffff  }
0xdd: {  	v3 =	vld [tilespmem:s13+$0x1400]  }
0xde: {  	v2 =	vld.idx.msk [tilespmem:v2+s10+$0x0], $0xffff  }
0xdf: {  	v6 =	vld [tilespmem:s13+$0x1800]  }
0xe0: {  	v1 =	vld.idx.msk [tilespmem:v1+s10+$0x0], $0xffff  }
0xe1: {  	v7 =	vld [tilespmem:s13+$0x1C00]  }
0xe2: {  	v0 =	vadd.f32 $0.0e+00, v0;
	v4 =	vld.idx.msk [tilespmem:v4+s10+$0x0], $0xffff  }
0xe3: {  	v8 =	vld [tilespmem:s13+$0x2000]  }
0xe4: {  	v0 =	vadd.f32 v2, v0;
	v2 =	vld.idx.msk [tilespmem:v5+s10+$0x0], $0xffff  }
0xe5: {  	v5 =	vld [tilespmem:s13+$0x2400]  }
0xe6: {  	v0 =	vadd.f32 v1, v0;
	v1 =	vld.idx.msk [tilespmem:v3+s10+$0x0], $0xffff  }
0xe7: {  	v3 =	vld [tilespmem:s13+$0x2800]  }
0xe8: {  	v0 =	vadd.f32 v4, v0;
	v4 =	vld.idx.msk [tilespmem:v6+s10+$0x0], $0xffff  }
0xe9: {  	v6 =	vld [tilespmem:s13+$0x2C00]  }
0xea: {  	v0 =	vadd.f32 v2, v0;
	v2 =	vld.idx.msk [tilespmem:v7+s10+$0x0], $0xffff  }
0xeb: {  	v7 =	vld [tilespmem:s13+$0x3000]  }
0xec: {  	v0 =	vadd.f32 v1, v0;
	v1 =	vld.idx.msk [tilespmem:v8+s10+$0x0], $0xffff  }
0xed: {  	v8 =	vld [tilespmem:s13+$0x3400]  }
0xee: {  	v0 =	vadd.f32 v4, v0;
	v4 =	vld.idx.msk [tilespmem:v5+s10+$0x0], $0xffff  }
0xef: {  	v5 =	vld [tilespmem:s13+$0x3800]  }
0xf0: {  	v0 =	vadd.f32 v2, v0;
	v2 =	vld.idx.msk [tilespmem:v3+s10+$0x0], $0xffff  }
0xf1: {  	v3 =	vld [tilespmem:s13+$0x3C00]  }
0xf2: {  	v0 =	vadd.f32 v1, v0;
	v1 =	vld.idx.msk [tilespmem:v6+s10+$0x0], $0xffff  }
0xf3: {  	v6 =	vld [tilespmem:s13+$0x4000]  }
0xf4: {  	v0 =	vadd.f32 v4, v0;
	v4 =	vld.idx.msk [tilespmem:v7+s10+$0x0], $0xffff  }
0xf5: {  	v7 =	vld [tilespmem:s13+$0x4400]  }
0xf6: {  	v0 =	vadd.f32 v2, v0;
	v2 =	vld.idx.msk [tilespmem:v8+s10+$0x0], $0xffff  }
0xf7: {  	v8 =	vld [tilespmem:s13+$0x4800]  }
0xf8: {  	v0 =	vadd.f32 v1, v0;
	v1 =	vld.idx.msk [tilespmem:v5+s10+$0x0], $0xffff  }
0xf9: {  	v5 =	vld [tilespmem:s13+$0x4C00]  }
0xfa: {  	v0 =	vadd.f32 v4, v0;
	v3 =	vld.idx.msk [tilespmem:v3+s10+$0x0], $0xffff;
	_ =	sdelay $0x1  }
0xfb: {  	v0 =	vadd.f32 v2, v0;
	v2 =	vld.idx.msk [tilespmem:v6+s10+$0x0], $0xffff;
	_ =	sdelay $0x1  }
0xfc: {  	v0 =	vadd.f32 v1, v0;
	v4 =	vld.idx.msk [tilespmem:v7+s10+$0x0], $0xffff;
	_ =	sdelay $0x1  }
.Ltmp1:
0xfd: {  	v0 =	vadd.f32 v3, v0;
	v1 =	vld.idx.msk [tilespmem:v8+s10+$0x0], $0xffff;
	(pc) =	sbr.rel @p0 .LBB2_4-.Ltmp1, $3  }
0xfe: {  	_ = 	snop  }
0xff: {  	v2 =	vadd.f32 v2, v0;
	v0 =	vld.idx.msk [tilespmem:v5+s10+$0x0], $0xffff;
	_ =	sdelay $0x1  }
0x100: {  	s15 =	sshra.s32 s14, $0x2;
	s14 =	sadd.s32 $0x40, s14;
	v2 =	vadd.f32 v4, v2  }
0x101: {  	v3 =	vld [tilespmem:s15+$0x0]  }
0x102: {  	v1 =	vadd.f32 v1, v2  }
0x103: {  	v35 =	vld [tilespmem:s15+$0x400]  }
0x104: {  	v0 =	vadd.f32 v0, v1  }
0x105: {  	v36 =	vld [tilespmem:s15+$0x800]  }
0x106: {  	v0 =	vmul.f32 $5.000000070e-02, v0  }
0x107: {  	v4 =	vld [tilespmem:s15+$0xC00]  }
0x108: {  	v5 =	vld [tilespmem:s15+$0x1000];
	[tilespmem:s13+$0x1D6A0] =	vst v0  }
0x109: {  	v0 =	vld.idx.msk [tilespmem:v3+s10+$0x0], $0xffff  }
0x10a: {  	v37 =	vld [tilespmem:s15+$0x1400]  }
0x10b: {  	v2 =	vld.idx.msk [tilespmem:v35+s10+$0x0], $0xffff  }
0x10c: {  	v6 =	vld [tilespmem:s15+$0x1800]  }
0x10d: {  	v1 =	vld.idx.msk [tilespmem:v36+s10+$0x0], $0xffff  }
0x10e: {  	v7 =	vld [tilespmem:s15+$0x1C00];
	v0 =	vadd.f32 $0.0e+00, v0  }
0x10f: {  	v4 =	vld.idx.msk [tilespmem:v4+s10+$0x0], $0xffff  }
0x110: {  	v8 =	vld [tilespmem:s15+$0x2000];
	v0 =	vadd.f32 v2, v0  }
0x111: {  	v38 =	vld.idx.msk [tilespmem:v5+s10+$0x0], $0xffff  }
0x112: {  	v39 =	vld [tilespmem:s15+$0x2400];
	v0 =	vadd.f32 v1, v0  }
0x113: {  	v40 =	vld.idx.msk [tilespmem:v37+s10+$0x0], $0xffff  }
0x114: {  	v41 =	vld [tilespmem:s15+$0x2800];
	v0 =	vadd.f32 v4, v0  }
0x115: {  	v42 =	vld.idx.msk [tilespmem:v6+s10+$0x0], $0xffff  }
0x116: {  	v43 =	vld [tilespmem:s15+$0x2C00];
	v0 =	vadd.f32 v38, v0  }
0x117: {  	v44 =	vld.idx.msk [tilespmem:v7+s10+$0x0], $0xffff  }
0x118: {  	v45 =	vld [tilespmem:s15+$0x3000];
	v0 =	vadd.f32 v40, v0  }
0x119: {  	v46 =	vld.idx.msk [tilespmem:v8+s10+$0x0], $0xffff  }
0x11a: {  	v47 =	vld [tilespmem:s15+$0x3400];
	v0 =	vadd.f32 v42, v0  }
0x11b: {  	v48 =	vld.idx.msk [tilespmem:v39+s10+$0x0], $0xffff  }
0x11c: {  	v49 =	vld [tilespmem:s15+$0x3800];
	v0 =	vadd.f32 v44, v0  }
0x11d: {  	v50 =	vld.idx.msk [tilespmem:v41+s10+$0x0], $0xffff  }
0x11e: {  	v51 =	vld [tilespmem:s15+$0x3C00];
	v0 =	vadd.f32 v46, v0  }
0x11f: {  	v52 =	vld.idx.msk [tilespmem:v43+s10+$0x0], $0xffff  }
0x120: {  	v53 =	vld [tilespmem:s15+$0x4000];
	v0 =	vadd.f32 v48, v0  }
0x121: {  	v54 =	vld.idx.msk [tilespmem:v45+s10+$0x0], $0xffff  }
0x122: {  	v55 =	vld [tilespmem:s15+$0x4400];
	v0 =	vadd.f32 v50, v0  }
0x123: {  	v56 =	vld.idx.msk [tilespmem:v47+s10+$0x0], $0xffff  }
0x124: {  	v57 =	vld [tilespmem:s15+$0x4800];
	v0 =	vadd.f32 v52, v0  }
0x125: {  	v58 =	vld.idx.msk [tilespmem:v49+s10+$0x0], $0xffff  }
0x126: {  	v59 =	vld [tilespmem:s15+$0x4C00];
	v0 =	vadd.f32 v54, v0  }
0x127: {  	v3 =	vld.idx.msk [tilespmem:v51+s10+$0x0], $0xffff  }
0x128: {  	v0 =	vadd.f32 v56, v0  }
0x129: {  	v60 =	vld.idx.msk [tilespmem:v53+s10+$0x0], $0xffff  }
0x12a: {  	v0 =	vadd.f32 v58, v0  }
0x12b: {  	v61 =	vld.idx.msk [tilespmem:v55+s10+$0x0], $0xffff  }
0x12c: {  	v0 =	vadd.f32 v3, v0  }
0x12d: {  	v62 =	vld.idx.msk [tilespmem:v57+s10+$0x0], $0xffff  }
0x12e: {  	v0 =	vadd.f32 v60, v0  }
0x12f: {  	v63 =	vld.idx.msk [tilespmem:v59+s10+$0x0], $0xffff  }
0x130: {  	v0 =	vadd.f32 v61, v0;
	_ =	sdelay $0x1  }
0x131: {  	v0 =	vadd.f32 v62, v0;
	_ =	sdelay $0x1  }
0x132: {  	v0 =	vadd.f32 v63, v0;
	_ =	sdelay $0x1  }
0x133: {  	s12 =	sadd.s32 $0x1, s12;
	v0 =	vmul.f32 $5.000000070e-02, v0  }
0x134: {  	p0 =	sne.s32 s12, s8  }
.Ltmp2:
0x135: {  	[tilespmem:s15+$0x1D6A0] =	vst v0;
	(pc) =	sbr.rel @p0 .LBB2_1-.Ltmp2, $4  }
0x136: {  	[hbm4b:s7+s2] =	stream.linear.scatter [tilespmem:s11], [sflag:$0x1], $0x400, $0x38;
	[tilespmem:$0x1DAA0] =	vst v63  }
0x137: {  	_ =	swait.ge [sflag:s9], $0x400  }
0x138: {  	[sflag:s9] =	ssyncset.done $0x0  }
0x139: {  	[sflag:s9] =	ssyncadd.s32 $0xFFFFFC00  }
0x13a: {  	_ =	sfence.sel $0x180000  }
0x13b: {  	[bflag:$0x0] =	sbarrier.arrive $0xFFFF  }
0x13c: {  	p0 =	sne.s32 s1, $0x0;
	_ =	strace $0x90000047  }
0x13d: {  	s0 =	sadd.s32 @!p0 $0x100000, s0;
	[bflag:$0x2] =	sbarrier.arrive $0xFFFF  }
0x13e: {  	[sflag:s0] =	ssyncadd.tile.s32 @!p0 $0x1;
	_ =	shalt  }
.Lfunc_end2:
_tile_overlayer_lowered:
.L_overlay_start_2:
0x13f: {  	(tag) =	ssettag $0x2  }
0x140: {  	s0 =	rddreg [dreg:$0x0];
	s2 =	stileid.u32  }
0x141: {  	s1 =	rddreg [dreg:$0x1];
	p0 =	sne.s32 s2, $0x0  }
0x142: {  	s3 =	rddreg [dreg:$0x2];
	[bflag:$0x3] =	sbarrier.arrive $0xFFFF;
	s2 =	simm.s32 @!p0 $0x1C01  }
0x143: {  	[timem:s3], [sflag:s2] =	dma.local @!p0 [hbm:s0], s1  }
0x144: {  	s0 =	simm.s32 @!p0 $0x1  }
0x145: {  	_ =	swait.ge @!p0 [sflag:s0], s1  }
0x146: {  	s1 =	ssub.s32 @!p0 $0x0, s1;
	[sflag:s0] =	ssyncset.done @!p0 $0x0  }
0x147: {  	[sflag:s0] =	ssyncadd.s32 @!p0 s1  }
0x148: {  	[bflag:$0x3] =	sbarrier.arrive $0xFFFF  }
0x149: {  	_ =	shalt  }

</sc_bundles>
